<compile_context>
chip_gen: v7x
topology: tpu7x:2x2x1
jax: 0.10.2.dev20260603
libtpu: 0.0.44.dev20260713+nightly
codegen_flags: <defaults>
</compile_context>

<pallas_src>
import functools

import jax
import jax.numpy as jnp
from jax.experimental import pallas as pl
from jax.experimental.pallas import tpu as pltpu

CHANNEL = 64
SEG = 4
K = 128
LEVELS = 3
D = CHANNEL // SEG
KT = SEG * K


def _mm(a, b, dims):
    return jax.lax.dot_general(
        a, b, (dims, ((), ())), preferred_element_type=jnp.float32)


def _body(x_ref, w_enc, b_enc_r, w_q, b_q_r, w_lat, b_lat_r, w_deq, b_deq_r,
          w_res, b_res_r, w_side, b_side_r, cb_ref, csq_in,
          out_ref, loss_ref, bd_ref, bg_ref, csq_ref, bcol_ref, *, blk):
    i = pl.program_id(0)

    @pl.when(i == 0)
    def _build():
        bd_ref[...] = jnp.zeros((LEVELS, CHANNEL, KT), jnp.float32)
        bg_ref[...] = jnp.zeros((LEVELS, KT, CHANNEL), jnp.float32)
        for l in range(LEVELS):
            for s in range(SEG):
                cb = cb_ref[l, s]
                bg_ref[l, K * s:K * (s + 1), D * s:D * (s + 1)] = cb
                bd_ref[l, D * s:D * (s + 1), K * s:K * (s + 1)] = \
                    jnp.float32(-2.0) * cb.T
        eye_c = (jax.lax.broadcasted_iota(jnp.int32, (CHANNEL, CHANNEL), 0)
                 == jax.lax.broadcasted_iota(
                     jnp.int32, (CHANNEL, CHANNEL), 1)).astype(jnp.float32)
        eye_k = (jax.lax.broadcasted_iota(jnp.int32, (K, K), 0)
                 == jax.lax.broadcasted_iota(
                     jnp.int32, (K, K), 1)).astype(jnp.float32)
        for j, br in enumerate((b_enc_r, b_q_r, b_lat_r, b_deq_r,
                                b_res_r, b_side_r)):
            for l in range(LEVELS):
                bcol_ref[j, l] = _mm(eye_c, br[l:l + 1, :], ((1,), (1,)))
        for l in range(LEVELS):
            for s in range(SEG):
                csq_ref[l, K * s:K * (s + 1)] = \
                    _mm(eye_k, csq_in[l, s:s + 1, :], ((1,), (1,)))

    b_enc, b_q, b_lat, b_deq, b_res, b_side = (
        bcol_ref[0], bcol_ref[1], bcol_ref[2],
        bcol_ref[3], bcol_ref[4], bcol_ref[5])

    cur = x_ref[...]
    iota_f = jax.lax.broadcasted_iota(
        jnp.int32, (K, blk), 0).astype(jnp.float32)

    qs_, crosses = [], []
    for l in range(LEVELS):
        z = _mm(w_enc[l], cur, ((1,), (0,))) + b_enc[l]
        q = _mm(w_q[l], z, ((1,), (0,))) + b_q[l]
        crosses.append(_mm(bd_ref[l], q, ((0,), (0,))))
        qs_.append(q)
        if l < LEVELS - 1:
            cur = _mm(w_lat[l], z, ((1,), (0,))) + b_lat[l]

    pipes = [(l, s) for l in range(LEVELS) for s in range(SEG)]
    ds_all, mn_all, masked_all, idx_all, oh_all = {}, {}, {}, {}, {}
    for l, s in pipes:
        ds_all[l, s] = crosses[l][K * s:K * (s + 1), :] \
            + csq_ref[l][K * s:K * (s + 1), :]
    for l, s in pipes:
        mn_all[l, s] = jnp.min(ds_all[l, s], axis=0, keepdims=True)
    for l, s in pipes:
        masked_all[l, s] = jnp.where(
            ds_all[l, s] == mn_all[l, s], iota_f, jnp.float32(K))
    for l, s in pipes:
        idx_all[l, s] = jnp.min(masked_all[l, s], axis=0, keepdims=True)
    for l, s in pipes:
        oh_all[l, s] = (iota_f == idx_all[l, s]).astype(jnp.float32)

    loss = jnp.float32(0.0)
    hards = []
    for l in range(LEVELS):
        oh = jnp.concatenate([oh_all[l, s] for s in range(SEG)], axis=0)
        hard = _mm(bg_ref[l], oh, ((0,), (0,)))
        df = qs_[l] - hard
        loss = loss + jnp.sum(df * df)
        hards.append(hard)

    t = _mm(w_deq[2], hards[2], ((1,), (0,))) + b_deq[2] + b_side[2]
    y = _mm(w_res[2], t, ((1,), (0,))) + b_res[2]
    for l in (1, 0):
        t = (_mm(w_deq[l], hards[l], ((1,), (0,))) + b_deq[l]
             + _mm(w_side[l], y, ((1,), (0,))) + b_side[l])
        y = _mm(w_res[l], t, ((1,), (0,))) + b_res[l]
    out_ref[...] = y.T

    @pl.when(i == 0)
    def _init():
        loss_ref[0, 0] = loss

    @pl.when(i != 0)
    def _acc():
        loss_ref[0, 0] += loss


def kernel(heter_feature_2d, W_enc, b_enc, W_q, b_q, W_lat, b_lat,
           W_deq, b_deq, W_res, b_res, W_side, b_side, codebooks):
    Bq, C, Hq, Wq_ = heter_feature_2d.shape
    n = Bq * Hq * Wq_
    x = heter_feature_2d.reshape(C, n)
    blk = 4096
    grid = n // blk

    csq = jnp.sum(codebooks * codebooks, axis=-1)

    full = lambda shape: pl.BlockSpec(shape, lambda i: (0,) * len(shape))
    out, loss = pl.pallas_call(
        functools.partial(_body, blk=blk),
        grid=(grid,),
        in_specs=[
            pl.BlockSpec((C, blk), lambda i: (0, i)),
            full((LEVELS, C, C)), full((LEVELS, C)),
            full((LEVELS, C, C)), full((LEVELS, C)),
            full((LEVELS, C, C)), full((LEVELS, C)),
            full((LEVELS, C, C)), full((LEVELS, C)),
            full((LEVELS, C, C)), full((LEVELS, C)),
            full((LEVELS, C, C)), full((LEVELS, C)),
            full((LEVELS, SEG, K, D)), full((LEVELS, SEG, K)),
        ],
        out_specs=[
            pl.BlockSpec((blk, C), lambda i: (i, 0)),
            pl.BlockSpec((1, 1), lambda i: (0, 0),
                         memory_space=pltpu.SMEM),
        ],
        out_shape=[
            jax.ShapeDtypeStruct((n, C), jnp.float32),
            jax.ShapeDtypeStruct((1, 1), jnp.float32),
        ],
        scratch_shapes=[
            pltpu.VMEM((LEVELS, C, KT), jnp.float32),
            pltpu.VMEM((LEVELS, KT, C), jnp.float32),
            pltpu.VMEM((LEVELS, KT, 1), jnp.float32),
            pltpu.VMEM((6, LEVELS, C, 1), jnp.float32),
        ],
    )(x, W_enc, b_enc, W_q, b_q, W_lat, b_lat,
      W_deq, b_deq, W_res, b_res, W_side, b_side,
      codebooks, csq)

    restored = out.reshape(Bq, Hq, Wq_, C)
    codebook_loss = loss[0, 0] * jnp.float32(1.25) / jnp.float32(n * C)
    return (restored, codebook_loss)

# --- scband reference (transcript-rebuilt; emitter-appended) ---
"""Pipeline reference for scband-heter-point-pillars-lift-splat-v2withfeature-53334903881777 (READ-ONLY COPY).

The authoritative reference and input builder live on the scoring server;
editing this copy changes nothing except your own understanding.
"""

import jax, jax.numpy as jnp
import numpy as np

CHANNEL = 64
SEG_NUM = 4
DICT_SIZE = 128
N_LEVELS = 3
B, H, W = 1, 384, 384


def _linear_params(key, n_out, n_in):
    k1, k2 = jax.random.split(key)
    s = 1.0 / np.sqrt(n_in)
    Wm = jax.random.uniform(k1, (n_out, n_in), minval=-s, maxval=s, dtype=jnp.float32)
    bv = jax.random.uniform(k2, (n_out,), minval=-s, maxval=s, dtype=jnp.float32)
    return Wm, bv


def setup_inputs(seed: int = 0) -> dict:
    key = jax.random.key(seed)
    keys = jax.random.split(key, 12)
    inp = {"heter_feature_2d": jax.random.normal(keys[0], (B, CHANNEL, H, W), dtype=jnp.float32)}
    names = ["enc", "q", "lat", "deq", "res", "side"]
    for i, nm in enumerate(names):
        Ws, bs = [], []
        for l in range(N_LEVELS):
            Wm, bv = _linear_params(jax.random.fold_in(keys[1 + i], l), CHANNEL, CHANNEL)
            Ws.append(Wm)
            bs.append(bv)
        inp["W_" + nm] = jnp.stack(Ws)
        inp["b_" + nm] = jnp.stack(bs)
    d = CHANNEL // SEG_NUM
    inp["codebooks"] = jax.random.normal(keys[10], (N_LEVELS, SEG_NUM, DICT_SIZE, d), dtype=jnp.float32)
    return inp


def reference(heter_feature_2d, W_enc, b_enc, W_q, b_q, W_lat, b_lat, W_deq, b_deq, W_res, b_res, W_side, b_side, codebooks):
    # Flatten BEV feature map to tokens, exactly as the torch module does:
    # heter_feature_2d.permute(0,2,3,1).contiguous().view(-1, C)
    Bq, C, Hq, Wq_ = heter_feature_2d.shape
    x = jnp.transpose(heter_feature_2d, (0, 2, 3, 1)).reshape(-1, C)
    L = codebooks.shape[0]
    seg = codebooks.shape[1]
    d = C // seg
    cur = x
    quantizeds = []
    codebook_loss = jnp.float32(0.0)
    # Multi-stage (3 level) multi-group (seg_num) vector quantization (UMGM-style)
    for l in range(L):
        z = cur @ W_enc[l].T + b_enc[l]          # latentStageEncoder
        q = z @ W_q[l].T + b_q[l]                # quantizationHead
        qg = q.reshape(-1, seg, d)               # [N, seg, d]
        cb = codebooks[l]                        # [seg, K, d]
        dist = (jnp.sum(qg * qg, axis=-1, keepdims=True)
                - 2.0 * jnp.einsum('nsd,skd->nsk', qg, cb)
                + jnp.sum(cb * cb, axis=-1)[None, :, :])  # [N, seg, K]
        idx = jnp.argmin(dist, axis=-1)          # [N, seg]
        hard = cb[jnp.arange(seg)[None, :], idx].reshape(-1, C)  # gather codewords
        quantized = q + jax.lax.stop_gradient(hard - q)          # straight-through
        codebook_loss = codebook_loss \
            + jnp.mean((jax.lax.stop_gradient(q) - hard) ** 2) \
            + 0.25 * jnp.mean((q - jax.lax.stop_gradient(hard)) ** 2)
        quantizeds.append(quantized)
        cur = z @ W_lat[l].T + b_lat[l]          # latentHead -> next stage input
    # Restore path: dequantizationHead + sideHead -> restoreHead, deepest level first
    y = jnp.zeros_like(x)
    for l in range(L - 1, -1, -1):
        deq = quantizeds[l] @ W_deq[l].T + b_deq[l]
        side = y @ W_side[l].T + b_side[l]
        y = (deq + side) @ W_res[l].T + b_res[l]
    restored = y.reshape(Bq, Hq, Wq_, C)
    return (restored, codebook_loss)

if __name__ == "__main__":
    import jax
    _d = setup_inputs()
    print(jax.jit(kernel)(*tuple(_d.values())))

</pallas_src>

<mosaic_0001>
module attributes {stable_mosaic.version = 14 : i64} {
  func.func @_body(%arg0: i32, %arg1: memref<64x4096xf32, #tpu.memory_space<vmem>>, %arg2: memref<3x64x64xf32, #tpu.memory_space<vmem>>, %arg3: memref<3x64xf32, #tpu.memory_space<vmem>>, %arg4: memref<3x64x64xf32, #tpu.memory_space<vmem>>, %arg5: memref<3x64xf32, #tpu.memory_space<vmem>>, %arg6: memref<3x64x64xf32, #tpu.memory_space<vmem>>, %arg7: memref<3x64xf32, #tpu.memory_space<vmem>>, %arg8: memref<3x64x64xf32, #tpu.memory_space<vmem>>, %arg9: memref<3x64xf32, #tpu.memory_space<vmem>>, %arg10: memref<3x64x64xf32, #tpu.memory_space<vmem>>, %arg11: memref<3x64xf32, #tpu.memory_space<vmem>>, %arg12: memref<3x64x64xf32, #tpu.memory_space<vmem>>, %arg13: memref<3x64xf32, #tpu.memory_space<vmem>>, %arg14: memref<3x4x128x16xf32, #tpu.memory_space<vmem>>, %arg15: memref<3x4x128xf32, #tpu.memory_space<vmem>>, %arg16: memref<4096x64xf32, #tpu.memory_space<vmem>>, %arg17: memref<1x1xf32, #tpu.memory_space<smem>>, %arg18: memref<3x64x512xf32, #tpu.memory_space<vmem>>, %arg19: memref<3x512x64xf32, #tpu.memory_space<vmem>>, %arg20: memref<3x512x1xf32, #tpu.memory_space<vmem>>, %arg21: memref<6x3x64x1xf32, #tpu.memory_space<vmem>>) attributes {dimension_semantics = [#tpu.dimension_semantics<arbitrary>], iteration_bounds = array<i64: 36>, scalar_prefetch = 0 : i64, scratch_operands = 4 : i64, tpu.core_type = #tpu.core_type<tc>, window_params = [{transform_indices = @transform_0, window_bounds = array<i64: 64, 4096>}, {pipeline_mode = #tpu.pipeline_mode<synchronous>, transform_indices = @transform_1, window_bounds = array<i64: 3, 64, 64>}, {pipeline_mode = #tpu.pipeline_mode<synchronous>, transform_indices = @transform_2, window_bounds = array<i64: 3, 64>}, {pipeline_mode = #tpu.pipeline_mode<synchronous>, transform_indices = @transform_3, window_bounds = array<i64: 3, 64, 64>}, {pipeline_mode = #tpu.pipeline_mode<synchronous>, transform_indices = @transform_4, window_bounds = array<i64: 3, 64>}, {pipeline_mode = #tpu.pipeline_mode<synchronous>, transform_indices = @transform_5, window_bounds = array<i64: 3, 64, 64>}, {pipeline_mode = #tpu.pipeline_mode<synchronous>, transform_indices = @transform_6, window_bounds = array<i64: 3, 64>}, {pipeline_mode = #tpu.pipeline_mode<synchronous>, transform_indices = @transform_7, window_bounds = array<i64: 3, 64, 64>}, {pipeline_mode = #tpu.pipeline_mode<synchronous>, transform_indices = @transform_8, window_bounds = array<i64: 3, 64>}, {pipeline_mode = #tpu.pipeline_mode<synchronous>, transform_indices = @transform_9, window_bounds = array<i64: 3, 64, 64>}, {pipeline_mode = #tpu.pipeline_mode<synchronous>, transform_indices = @transform_10, window_bounds = array<i64: 3, 64>}, {pipeline_mode = #tpu.pipeline_mode<synchronous>, transform_indices = @transform_11, window_bounds = array<i64: 3, 64, 64>}, {pipeline_mode = #tpu.pipeline_mode<synchronous>, transform_indices = @transform_12, window_bounds = array<i64: 3, 64>}, {pipeline_mode = #tpu.pipeline_mode<synchronous>, transform_indices = @transform_13, window_bounds = array<i64: 3, 4, 128, 16>}, {pipeline_mode = #tpu.pipeline_mode<synchronous>, transform_indices = @transform_14, window_bounds = array<i64: 3, 4, 128>}, {transform_indices = @transform_15, window_bounds = array<i64: 4096, 64>}, {transform_indices = @transform_16, window_bounds = array<i64: 1, 1>}]} {
    %eq3A = arith.constant 0 : i32
    %eq3A_0 = arith.cmpi eq, %arg0, %eq3A : i32
    %convert_element_type3A = arith.extui %eq3A_0 : i1 to i32
    %cond3A = arith.constant 0 : i32
    %cond3A_1 = arith.cmpi ne, %convert_element_type3A, %cond3A : i32
    scf.if %cond3A_1 {
      %broadcast_in_dim3A_580 = arith.constant 0.000000e+00 : f32
      %broadcast_in_dim3A_581 = vector.broadcast %broadcast_in_dim3A_580 : f32 to vector<3x64x512xf32>
      %swap3A_582 = arith.constant 0 : index
      %swap3A_583 = arith.constant 0 : index
      %swap3A_584 = arith.constant 0 : index
      %swap3A_585 = vector.load %arg18[%swap3A_582, %swap3A_583, %swap3A_584] : memref<3x64x512xf32, #tpu.memory_space<vmem>>, vector<3x64x512xf32>
      tpu.vector_store %arg18[%swap3A_582, %swap3A_583, %swap3A_584], %broadcast_in_dim3A_581 {strides = array<i32>} : memref<3x64x512xf32, #tpu.memory_space<vmem>>, vector<3x64x512xf32>,
      %broadcast_in_dim3A_586 = arith.constant 0.000000e+00 : f32
      %broadcast_in_dim3A_587 = vector.broadcast %broadcast_in_dim3A_586 : f32 to vector<3x512x64xf32>
      %swap3A_588 = arith.constant 0 : index
      %swap3A_589 = arith.constant 0 : index
      %swap3A_590 = arith.constant 0 : index
      %swap3A_591 = vector.load %arg19[%swap3A_588, %swap3A_589, %swap3A_590] : memref<3x512x64xf32, #tpu.memory_space<vmem>>, vector<3x512x64xf32>
      tpu.vector_store %arg19[%swap3A_588, %swap3A_589, %swap3A_590], %broadcast_in_dim3A_587 {strides = array<i32>} : memref<3x512x64xf32, #tpu.memory_space<vmem>>, vector<3x512x64xf32>,
      %get3A_592 = arith.constant 0 : index
      %get3A_593 = arith.constant 0 : index
      %get3A_594 = arith.constant 0 : index
      %get3A_595 = arith.constant 0 : index
      %get3A_596 = vector.load %arg14[%get3A_592, %get3A_593, %get3A_594, %get3A_595] : memref<3x4x128x16xf32, #tpu.memory_space<vmem>>, vector<1x1x128x16xf32>
      %get3A_597 = vector.shape_cast %get3A_596 : vector<1x1x128x16xf32> to vector<128x16xf32>
      %swap3A_598 = arith.constant 0 : index
      %swap3A_599 = arith.constant 0 : index
      %swap3A_600 = arith.constant 0 : index
      %swap3A_601 = vector.load %arg19[%swap3A_598, %swap3A_599, %swap3A_600] : memref<3x512x64xf32, #tpu.memory_space<vmem>>, vector<1x128x16xf32>
      %swap3A_602 = vector.shape_cast %swap3A_601 : vector<1x128x16xf32> to vector<128x16xf32>
      %swap3A_603 = vector.shape_cast %get3A_597 : vector<128x16xf32> to vector<1x128x16xf32>
      tpu.vector_store %arg19[%swap3A_598, %swap3A_599, %swap3A_600], %swap3A_603 {strides = array<i32>} : memref<3x512x64xf32, #tpu.memory_space<vmem>>, vector<1x128x16xf32>,
      %transpose3A_604 = tpu.transpose %get3A_597, [1, 0] : vector<128x16xf32> -> vector<16x128xf32>
      %mul3A_605 = arith.constant -2.000000e+00 : f32
      %mul3A_606 = vector.broadcast %mul3A_605 : f32 to vector<16x128xf32>
      %mul3A_607 = arith.mulf %mul3A_606, %transpose3A_604 : vector<16x128xf32>
      %swap3A_608 = arith.constant 0 : index
      %swap3A_609 = arith.constant 0 : index
      %swap3A_610 = arith.constant 0 : index
      %swap3A_611 = vector.load %arg18[%swap3A_608, %swap3A_609, %swap3A_610] : memref<3x64x512xf32, #tpu.memory_space<vmem>>, vector<1x16x128xf32>
      %swap3A_612 = vector.shape_cast %swap3A_611 : vector<1x16x128xf32> to vector<16x128xf32>
      %swap3A_613 = vector.shape_cast %mul3A_607 : vector<16x128xf32> to vector<1x16x128xf32>
      tpu.vector_store %arg18[%swap3A_608, %swap3A_609, %swap3A_610], %swap3A_613 {strides = array<i32>} : memref<3x64x512xf32, #tpu.memory_space<vmem>>, vector<1x16x128xf32>,
      %get3A_614 = arith.constant 0 : index
      %get3A_615 = arith.constant 1 : index
      %get3A_616 = arith.constant 0 : index
      %get3A_617 = arith.constant 0 : index
      %get3A_618 = vector.load %arg14[%get3A_614, %get3A_615, %get3A_616, %get3A_617] : memref<3x4x128x16xf32, #tpu.memory_space<vmem>>, vector<1x1x128x16xf32>
      %get3A_619 = vector.shape_cast %get3A_618 : vector<1x1x128x16xf32> to vector<128x16xf32>
      %swap3A_620 = arith.constant 0 : index
      %swap3A_621 = arith.constant 128 : index
      %swap3A_622 = arith.constant 16 : index
      %swap3A_623 = vector.load %arg19[%swap3A_620, %swap3A_621, %swap3A_622] : memref<3x512x64xf32, #tpu.memory_space<vmem>>, vector<1x128x16xf32>
      %swap3A_624 = vector.shape_cast %swap3A_623 : vector<1x128x16xf32> to vector<128x16xf32>
      %swap3A_625 = vector.shape_cast %get3A_619 : vector<128x16xf32> to vector<1x128x16xf32>
      tpu.vector_store %arg19[%swap3A_620, %swap3A_621, %swap3A_622], %swap3A_625 {strides = array<i32>} : memref<3x512x64xf32, #tpu.memory_space<vmem>>, vector<1x128x16xf32>,
      %transpose3A_626 = tpu.transpose %get3A_619, [1, 0] : vector<128x16xf32> -> vector<16x128xf32>
      %mul3A_627 = arith.constant -2.000000e+00 : f32
      %mul3A_628 = vector.broadcast %mul3A_627 : f32 to vector<16x128xf32>
      %mul3A_629 = arith.mulf %mul3A_628, %transpose3A_626 : vector<16x128xf32>
      %swap3A_630 = arith.constant 0 : index
      %swap3A_631 = arith.constant 16 : index
      %swap3A_632 = arith.constant 128 : index
      %swap3A_633 = vector.load %arg18[%swap3A_630, %swap3A_631, %swap3A_632] : memref<3x64x512xf32, #tpu.memory_space<vmem>>, vector<1x16x128xf32>
      %swap3A_634 = vector.shape_cast %swap3A_633 : vector<1x16x128xf32> to vector<16x128xf32>
      %swap3A_635 = vector.shape_cast %mul3A_629 : vector<16x128xf32> to vector<1x16x128xf32>
      tpu.vector_store %arg18[%swap3A_630, %swap3A_631, %swap3A_632], %swap3A_635 {strides = array<i32>} : memref<3x64x512xf32, #tpu.memory_space<vmem>>, vector<1x16x128xf32>,
      %get3A_636 = arith.constant 0 : index
      %get3A_637 = arith.constant 2 : index
      %get3A_638 = arith.constant 0 : index
      %get3A_639 = arith.constant 0 : index
      %get3A_640 = vector.load %arg14[%get3A_636, %get3A_637, %get3A_638, %get3A_639] : memref<3x4x128x16xf32, #tpu.memory_space<vmem>>, vector<1x1x128x16xf32>
      %get3A_641 = vector.shape_cast %get3A_640 : vector<1x1x128x16xf32> to vector<128x16xf32>
      %swap3A_642 = arith.constant 0 : index
      %swap3A_643 = arith.constant 256 : index
      %swap3A_644 = arith.constant 32 : index
      %swap3A_645 = vector.load %arg19[%swap3A_642, %swap3A_643, %swap3A_644] : memref<3x512x64xf32, #tpu.memory_space<vmem>>, vector<1x128x16xf32>
      %swap3A_646 = vector.shape_cast %swap3A_645 : vector<1x128x16xf32> to vector<128x16xf32>
      %swap3A_647 = vector.shape_cast %get3A_641 : vector<128x16xf32> to vector<1x128x16xf32>
      tpu.vector_store %arg19[%swap3A_642, %swap3A_643, %swap3A_644], %swap3A_647 {strides = array<i32>} : memref<3x512x64xf32, #tpu.memory_space<vmem>>, vector<1x128x16xf32>,
      %transpose3A_648 = tpu.transpose %get3A_641, [1, 0] : vector<128x16xf32> -> vector<16x128xf32>
      %mul3A_649 = arith.constant -2.000000e+00 : f32
      %mul3A_650 = vector.broadcast %mul3A_649 : f32 to vector<16x128xf32>
      %mul3A_651 = arith.mulf %mul3A_650, %transpose3A_648 : vector<16x128xf32>
      %swap3A_652 = arith.constant 0 : index
      %swap3A_653 = arith.constant 32 : index
      %swap3A_654 = arith.constant 256 : index
      %swap3A_655 = vector.load %arg18[%swap3A_652, %swap3A_653, %swap3A_654] : memref<3x64x512xf32, #tpu.memory_space<vmem>>, vector<1x16x128xf32>
      %swap3A_656 = vector.shape_cast %swap3A_655 : vector<1x16x128xf32> to vector<16x128xf32>
      %swap3A_657 = vector.shape_cast %mul3A_651 : vector<16x128xf32> to vector<1x16x128xf32>
      tpu.vector_store %arg18[%swap3A_652, %swap3A_653, %swap3A_654], %swap3A_657 {strides = array<i32>} : memref<3x64x512xf32, #tpu.memory_space<vmem>>, vector<1x16x128xf32>,
      %get3A_658 = arith.constant 0 : index
      %get3A_659 = arith.constant 3 : index
      %get3A_660 = arith.constant 0 : index
      %get3A_661 = arith.constant 0 : index
      %get3A_662 = vector.load %arg14[%get3A_658, %get3A_659, %get3A_660, %get3A_661] : memref<3x4x128x16xf32, #tpu.memory_space<vmem>>, vector<1x1x128x16xf32>
      %get3A_663 = vector.shape_cast %get3A_662 : vector<1x1x128x16xf32> to vector<128x16xf32>
      %swap3A_664 = arith.constant 0 : index
      %swap3A_665 = arith.constant 384 : index
      %swap3A_666 = arith.constant 48 : index
      %swap3A_667 = vector.load %arg19[%swap3A_664, %swap3A_665, %swap3A_666] : memref<3x512x64xf32, #tpu.memory_space<vmem>>, vector<1x128x16xf32>
      %swap3A_668 = vector.shape_cast %swap3A_667 : vector<1x128x16xf32> to vector<128x16xf32>
      %swap3A_669 = vector.shape_cast %get3A_663 : vector<128x16xf32> to vector<1x128x16xf32>
      tpu.vector_store %arg19[%swap3A_664, %swap3A_665, %swap3A_666], %swap3A_669 {strides = array<i32>} : memref<3x512x64xf32, #tpu.memory_space<vmem>>, vector<1x128x16xf32>,
      %transpose3A_670 = tpu.transpose %get3A_663, [1, 0] : vector<128x16xf32> -> vector<16x128xf32>
      %mul3A_671 = arith.constant -2.000000e+00 : f32
      %mul3A_672 = vector.broadcast %mul3A_671 : f32 to vector<16x128xf32>
      %mul3A_673 = arith.mulf %mul3A_672, %transpose3A_670 : vector<16x128xf32>
      %swap3A_674 = arith.constant 0 : index
      %swap3A_675 = arith.constant 48 : index
      %swap3A_676 = arith.constant 384 : index
      %swap3A_677 = vector.load %arg18[%swap3A_674, %swap3A_675, %swap3A_676] : memref<3x64x512xf32, #tpu.memory_space<vmem>>, vector<1x16x128xf32>
      %swap3A_678 = vector.shape_cast %swap3A_677 : vector<1x16x128xf32> to vector<16x128xf32>
      %swap3A_679 = vector.shape_cast %mul3A_673 : vector<16x128xf32> to vector<1x16x128xf32>
      tpu.vector_store %arg18[%swap3A_674, %swap3A_675, %swap3A_676], %swap3A_679 {strides = array<i32>} : memref<3x64x512xf32, #tpu.memory_space<vmem>>, vector<1x16x128xf32>,
      %get3A_680 = arith.constant 1 : index
      %get3A_681 = arith.constant 0 : index
      %get3A_682 = arith.constant 0 : index
      %get3A_683 = arith.constant 0 : index
      %get3A_684 = vector.load %arg14[%get3A_680, %get3A_681, %get3A_682, %get3A_683] : memref<3x4x128x16xf32, #tpu.memory_space<vmem>>, vector<1x1x128x16xf32>
      %get3A_685 = vector.shape_cast %get3A_684 : vector<1x1x128x16xf32> to vector<128x16xf32>
      %swap3A_686 = arith.constant 1 : index
      %swap3A_687 = arith.constant 0 : index
      %swap3A_688 = arith.constant 0 : index
      %swap3A_689 = vector.load %arg19[%swap3A_686, %swap3A_687, %swap3A_688] : memref<3x512x64xf32, #tpu.memory_space<vmem>>, vector<1x128x16xf32>
      %swap3A_690 = vector.shape_cast %swap3A_689 : vector<1x128x16xf32> to vector<128x16xf32>
      %swap3A_691 = vector.shape_cast %get3A_685 : vector<128x16xf32> to vector<1x128x16xf32>
      tpu.vector_store %arg19[%swap3A_686, %swap3A_687, %swap3A_688], %swap3A_691 {strides = array<i32>} : memref<3x512x64xf32, #tpu.memory_space<vmem>>, vector<1x128x16xf32>,
      %transpose3A_692 = tpu.transpose %get3A_685, [1, 0] : vector<128x16xf32> -> vector<16x128xf32>
      %mul3A_693 = arith.constant -2.000000e+00 : f32
      %mul3A_694 = vector.broadcast %mul3A_693 : f32 to vector<16x128xf32>
      %mul3A_695 = arith.mulf %mul3A_694, %transpose3A_692 : vector<16x128xf32>
      %swap3A_696 = arith.constant 1 : index
      %swap3A_697 = arith.constant 0 : index
      %swap3A_698 = arith.constant 0 : index
      %swap3A_699 = vector.load %arg18[%swap3A_696, %swap3A_697, %swap3A_698] : memref<3x64x512xf32, #tpu.memory_space<vmem>>, vector<1x16x128xf32>
      %swap3A_700 = vector.shape_cast %swap3A_699 : vector<1x16x128xf32> to vector<16x128xf32>
      %swap3A_701 = vector.shape_cast %mul3A_695 : vector<16x128xf32> to vector<1x16x128xf32>
      tpu.vector_store %arg18[%swap3A_696, %swap3A_697, %swap3A_698], %swap3A_701 {strides = array<i32>} : memref<3x64x512xf32, #tpu.memory_space<vmem>>, vector<1x16x128xf32>,
      %get3A_702 = arith.constant 1 : index
      %get3A_703 = arith.constant 1 : index
      %get3A_704 = arith.constant 0 : index
      %get3A_705 = arith.constant 0 : index
      %get3A_706 = vector.load %arg14[%get3A_702, %get3A_703, %get3A_704, %get3A_705] : memref<3x4x128x16xf32, #tpu.memory_space<vmem>>, vector<1x1x128x16xf32>
      %get3A_707 = vector.shape_cast %get3A_706 : vector<1x1x128x16xf32> to vector<128x16xf32>
      %swap3A_708 = arith.constant 1 : index
      %swap3A_709 = arith.constant 128 : index
      %swap3A_710 = arith.constant 16 : index
      %swap3A_711 = vector.load %arg19[%swap3A_708, %swap3A_709, %swap3A_710] : memref<3x512x64xf32, #tpu.memory_space<vmem>>, vector<1x128x16xf32>
      %swap3A_712 = vector.shape_cast %swap3A_711 : vector<1x128x16xf32> to vector<128x16xf32>
      %swap3A_713 = vector.shape_cast %get3A_707 : vector<128x16xf32> to vector<1x128x16xf32>
      tpu.vector_store %arg19[%swap3A_708, %swap3A_709, %swap3A_710], %swap3A_713 {strides = array<i32>} : memref<3x512x64xf32, #tpu.memory_space<vmem>>, vector<1x128x16xf32>,
      %transpose3A_714 = tpu.transpose %get3A_707, [1, 0] : vector<128x16xf32> -> vector<16x128xf32>
      %mul3A_715 = arith.constant -2.000000e+00 : f32
      %mul3A_716 = vector.broadcast %mul3A_715 : f32 to vector<16x128xf32>
      %mul3A_717 = arith.mulf %mul3A_716, %transpose3A_714 : vector<16x128xf32>
      %swap3A_718 = arith.constant 1 : index
      %swap3A_719 = arith.constant 16 : index
      %swap3A_720 = arith.constant 128 : index
      %swap3A_721 = vector.load %arg18[%swap3A_718, %swap3A_719, %swap3A_720] : memref<3x64x512xf32, #tpu.memory_space<vmem>>, vector<1x16x128xf32>
      %swap3A_722 = vector.shape_cast %swap3A_721 : vector<1x16x128xf32> to vector<16x128xf32>
      %swap3A_723 = vector.shape_cast %mul3A_717 : vector<16x128xf32> to vector<1x16x128xf32>
      tpu.vector_store %arg18[%swap3A_718, %swap3A_719, %swap3A_720], %swap3A_723 {strides = array<i32>} : memref<3x64x512xf32, #tpu.memory_space<vmem>>, vector<1x16x128xf32>,
      %get3A_724 = arith.constant 1 : index
      %get3A_725 = arith.constant 2 : index
      %get3A_726 = arith.constant 0 : index
      %get3A_727 = arith.constant 0 : index
      %get3A_728 = vector.load %arg14[%get3A_724, %get3A_725, %get3A_726, %get3A_727] : memref<3x4x128x16xf32, #tpu.memory_space<vmem>>, vector<1x1x128x16xf32>
      %get3A_729 = vector.shape_cast %get3A_728 : vector<1x1x128x16xf32> to vector<128x16xf32>
      %swap3A_730 = arith.constant 1 : index
      %swap3A_731 = arith.constant 256 : index
      %swap3A_732 = arith.constant 32 : index
      %swap3A_733 = vector.load %arg19[%swap3A_730, %swap3A_731, %swap3A_732] : memref<3x512x64xf32, #tpu.memory_space<vmem>>, vector<1x128x16xf32>
      %swap3A_734 = vector.shape_cast %swap3A_733 : vector<1x128x16xf32> to vector<128x16xf32>
      %swap3A_735 = vector.shape_cast %get3A_729 : vector<128x16xf32> to vector<1x128x16xf32>
      tpu.vector_store %arg19[%swap3A_730, %swap3A_731, %swap3A_732], %swap3A_735 {strides = array<i32>} : memref<3x512x64xf32, #tpu.memory_space<vmem>>, vector<1x128x16xf32>,
      %transpose3A_736 = tpu.transpose %get3A_729, [1, 0] : vector<128x16xf32> -> vector<16x128xf32>
      %mul3A_737 = arith.constant -2.000000e+00 : f32
      %mul3A_738 = vector.broadcast %mul3A_737 : f32 to vector<16x128xf32>
      %mul3A_739 = arith.mulf %mul3A_738, %transpose3A_736 : vector<16x128xf32>
      %swap3A_740 = arith.constant 1 : index
      %swap3A_741 = arith.constant 32 : index
      %swap3A_742 = arith.constant 256 : index
      %swap3A_743 = vector.load %arg18[%swap3A_740, %swap3A_741, %swap3A_742] : memref<3x64x512xf32, #tpu.memory_space<vmem>>, vector<1x16x128xf32>
      %swap3A_744 = vector.shape_cast %swap3A_743 : vector<1x16x128xf32> to vector<16x128xf32>
      %swap3A_745 = vector.shape_cast %mul3A_739 : vector<16x128xf32> to vector<1x16x128xf32>
      tpu.vector_store %arg18[%swap3A_740, %swap3A_741, %swap3A_742], %swap3A_745 {strides = array<i32>} : memref<3x64x512xf32, #tpu.memory_space<vmem>>, vector<1x16x128xf32>,
      %get3A_746 = arith.constant 1 : index
      %get3A_747 = arith.constant 3 : index
      %get3A_748 = arith.constant 0 : index
      %get3A_749 = arith.constant 0 : index
      %get3A_750 = vector.load %arg14[%get3A_746, %get3A_747, %get3A_748, %get3A_749] : memref<3x4x128x16xf32, #tpu.memory_space<vmem>>, vector<1x1x128x16xf32>
      %get3A_751 = vector.shape_cast %get3A_750 : vector<1x1x128x16xf32> to vector<128x16xf32>
      %swap3A_752 = arith.constant 1 : index
      %swap3A_753 = arith.constant 384 : index
      %swap3A_754 = arith.constant 48 : index
      %swap3A_755 = vector.load %arg19[%swap3A_752, %swap3A_753, %swap3A_754] : memref<3x512x64xf32, #tpu.memory_space<vmem>>, vector<1x128x16xf32>
      %swap3A_756 = vector.shape_cast %swap3A_755 : vector<1x128x16xf32> to vector<128x16xf32>
      %swap3A_757 = vector.shape_cast %get3A_751 : vector<128x16xf32> to vector<1x128x16xf32>
      tpu.vector_store %arg19[%swap3A_752, %swap3A_753, %swap3A_754], %swap3A_757 {strides = array<i32>} : memref<3x512x64xf32, #tpu.memory_space<vmem>>, vector<1x128x16xf32>,
      %transpose3A_758 = tpu.transpose %get3A_751, [1, 0] : vector<128x16xf32> -> vector<16x128xf32>
      %mul3A_759 = arith.constant -2.000000e+00 : f32
      %mul3A_760 = vector.broadcast %mul3A_759 : f32 to vector<16x128xf32>
      %mul3A_761 = arith.mulf %mul3A_760, %transpose3A_758 : vector<16x128xf32>
      %swap3A_762 = arith.constant 1 : index
      %swap3A_763 = arith.constant 48 : index
      %swap3A_764 = arith.constant 384 : index
      %swap3A_765 = vector.load %arg18[%swap3A_762, %swap3A_763, %swap3A_764] : memref<3x64x512xf32, #tpu.memory_space<vmem>>, vector<1x16x128xf32>
      %swap3A_766 = vector.shape_cast %swap3A_765 : vector<1x16x128xf32> to vector<16x128xf32>
      %swap3A_767 = vector.shape_cast %mul3A_761 : vector<16x128xf32> to vector<1x16x128xf32>
      tpu.vector_store %arg18[%swap3A_762, %swap3A_763, %swap3A_764], %swap3A_767 {strides = array<i32>} : memref<3x64x512xf32, #tpu.memory_space<vmem>>, vector<1x16x128xf32>,
      %get3A_768 = arith.constant 2 : index
      %get3A_769 = arith.constant 0 : index
      %get3A_770 = arith.constant 0 : index
      %get3A_771 = arith.constant 0 : index
      %get3A_772 = vector.load %arg14[%get3A_768, %get3A_769, %get3A_770, %get3A_771] : memref<3x4x128x16xf32, #tpu.memory_space<vmem>>, vector<1x1x128x16xf32>
      %get3A_773 = vector.shape_cast %get3A_772 : vector<1x1x128x16xf32> to vector<128x16xf32>
      %swap3A_774 = arith.constant 2 : index
      %swap3A_775 = arith.constant 0 : index
      %swap3A_776 = arith.constant 0 : index
      %swap3A_777 = vector.load %arg19[%swap3A_774, %swap3A_775, %swap3A_776] : memref<3x512x64xf32, #tpu.memory_space<vmem>>, vector<1x128x16xf32>
      %swap3A_778 = vector.shape_cast %swap3A_777 : vector<1x128x16xf32> to vector<128x16xf32>
      %swap3A_779 = vector.shape_cast %get3A_773 : vector<128x16xf32> to vector<1x128x16xf32>
      tpu.vector_store %arg19[%swap3A_774, %swap3A_775, %swap3A_776], %swap3A_779 {strides = array<i32>} : memref<3x512x64xf32, #tpu.memory_space<vmem>>, vector<1x128x16xf32>,
      %transpose3A_780 = tpu.transpose %get3A_773, [1, 0] : vector<128x16xf32> -> vector<16x128xf32>
      %mul3A_781 = arith.constant -2.000000e+00 : f32
      %mul3A_782 = vector.broadcast %mul3A_781 : f32 to vector<16x128xf32>
      %mul3A_783 = arith.mulf %mul3A_782, %transpose3A_780 : vector<16x128xf32>
      %swap3A_784 = arith.constant 2 : index
      %swap3A_785 = arith.constant 0 : index
      %swap3A_786 = arith.constant 0 : index
      %swap3A_787 = vector.load %arg18[%swap3A_784, %swap3A_785, %swap3A_786] : memref<3x64x512xf32, #tpu.memory_space<vmem>>, vector<1x16x128xf32>
      %swap3A_788 = vector.shape_cast %swap3A_787 : vector<1x16x128xf32> to vector<16x128xf32>
      %swap3A_789 = vector.shape_cast %mul3A_783 : vector<16x128xf32> to vector<1x16x128xf32>
      tpu.vector_store %arg18[%swap3A_784, %swap3A_785, %swap3A_786], %swap3A_789 {strides = array<i32>} : memref<3x64x512xf32, #tpu.memory_space<vmem>>, vector<1x16x128xf32>,
      %get3A_790 = arith.constant 2 : index
      %get3A_791 = arith.constant 1 : index
      %get3A_792 = arith.constant 0 : index
      %get3A_793 = arith.constant 0 : index
      %get3A_794 = vector.load %arg14[%get3A_790, %get3A_791, %get3A_792, %get3A_793] : memref<3x4x128x16xf32, #tpu.memory_space<vmem>>, vector<1x1x128x16xf32>
      %get3A_795 = vector.shape_cast %get3A_794 : vector<1x1x128x16xf32> to vector<128x16xf32>
      %swap3A_796 = arith.constant 2 : index
      %swap3A_797 = arith.constant 128 : index
      %swap3A_798 = arith.constant 16 : index
      %swap3A_799 = vector.load %arg19[%swap3A_796, %swap3A_797, %swap3A_798] : memref<3x512x64xf32, #tpu.memory_space<vmem>>, vector<1x128x16xf32>
      %swap3A_800 = vector.shape_cast %swap3A_799 : vector<1x128x16xf32> to vector<128x16xf32>
      %swap3A_801 = vector.shape_cast %get3A_795 : vector<128x16xf32> to vector<1x128x16xf32>
      tpu.vector_store %arg19[%swap3A_796, %swap3A_797, %swap3A_798], %swap3A_801 {strides = array<i32>} : memref<3x512x64xf32, #tpu.memory_space<vmem>>, vector<1x128x16xf32>,
      %transpose3A_802 = tpu.transpose %get3A_795, [1, 0] : vector<128x16xf32> -> vector<16x128xf32>
      %mul3A_803 = arith.constant -2.000000e+00 : f32
      %mul3A_804 = vector.broadcast %mul3A_803 : f32 to vector<16x128xf32>
      %mul3A_805 = arith.mulf %mul3A_804, %transpose3A_802 : vector<16x128xf32>
      %swap3A_806 = arith.constant 2 : index
      %swap3A_807 = arith.constant 16 : index
      %swap3A_808 = arith.constant 128 : index
      %swap3A_809 = vector.load %arg18[%swap3A_806, %swap3A_807, %swap3A_808] : memref<3x64x512xf32, #tpu.memory_space<vmem>>, vector<1x16x128xf32>
      %swap3A_810 = vector.shape_cast %swap3A_809 : vector<1x16x128xf32> to vector<16x128xf32>
      %swap3A_811 = vector.shape_cast %mul3A_805 : vector<16x128xf32> to vector<1x16x128xf32>
      tpu.vector_store %arg18[%swap3A_806, %swap3A_807, %swap3A_808], %swap3A_811 {strides = array<i32>} : memref<3x64x512xf32, #tpu.memory_space<vmem>>, vector<1x16x128xf32>,
      %get3A_812 = arith.constant 2 : index
      %get3A_813 = arith.constant 2 : index
      %get3A_814 = arith.constant 0 : index
      %get3A_815 = arith.constant 0 : index
      %get3A_816 = vector.load %arg14[%get3A_812, %get3A_813, %get3A_814, %get3A_815] : memref<3x4x128x16xf32, #tpu.memory_space<vmem>>, vector<1x1x128x16xf32>
      %get3A_817 = vector.shape_cast %get3A_816 : vector<1x1x128x16xf32> to vector<128x16xf32>
      %swap3A_818 = arith.constant 2 : index
      %swap3A_819 = arith.constant 256 : index
      %swap3A_820 = arith.constant 32 : index
      %swap3A_821 = vector.load %arg19[%swap3A_818, %swap3A_819, %swap3A_820] : memref<3x512x64xf32, #tpu.memory_space<vmem>>, vector<1x128x16xf32>
      %swap3A_822 = vector.shape_cast %swap3A_821 : vector<1x128x16xf32> to vector<128x16xf32>
      %swap3A_823 = vector.shape_cast %get3A_817 : vector<128x16xf32> to vector<1x128x16xf32>
      tpu.vector_store %arg19[%swap3A_818, %swap3A_819, %swap3A_820], %swap3A_823 {strides = array<i32>} : memref<3x512x64xf32, #tpu.memory_space<vmem>>, vector<1x128x16xf32>,
      %transpose3A_824 = tpu.transpose %get3A_817, [1, 0] : vector<128x16xf32> -> vector<16x128xf32>
      %mul3A_825 = arith.constant -2.000000e+00 : f32
      %mul3A_826 = vector.broadcast %mul3A_825 : f32 to vector<16x128xf32>
      %mul3A_827 = arith.mulf %mul3A_826, %transpose3A_824 : vector<16x128xf32>
      %swap3A_828 = arith.constant 2 : index
      %swap3A_829 = arith.constant 32 : index
      %swap3A_830 = arith.constant 256 : index
      %swap3A_831 = vector.load %arg18[%swap3A_828, %swap3A_829, %swap3A_830] : memref<3x64x512xf32, #tpu.memory_space<vmem>>, vector<1x16x128xf32>
      %swap3A_832 = vector.shape_cast %swap3A_831 : vector<1x16x128xf32> to vector<16x128xf32>
      %swap3A_833 = vector.shape_cast %mul3A_827 : vector<16x128xf32> to vector<1x16x128xf32>
      tpu.vector_store %arg18[%swap3A_828, %swap3A_829, %swap3A_830], %swap3A_833 {strides = array<i32>} : memref<3x64x512xf32, #tpu.memory_space<vmem>>, vector<1x16x128xf32>,
      %get3A_834 = arith.constant 2 : index
      %get3A_835 = arith.constant 3 : index
      %get3A_836 = arith.constant 0 : index
      %get3A_837 = arith.constant 0 : index
      %get3A_838 = vector.load %arg14[%get3A_834, %get3A_835, %get3A_836, %get3A_837] : memref<3x4x128x16xf32, #tpu.memory_space<vmem>>, vector<1x1x128x16xf32>
      %get3A_839 = vector.shape_cast %get3A_838 : vector<1x1x128x16xf32> to vector<128x16xf32>
      %swap3A_840 = arith.constant 2 : index
      %swap3A_841 = arith.constant 384 : index
      %swap3A_842 = arith.constant 48 : index
      %swap3A_843 = vector.load %arg19[%swap3A_840, %swap3A_841, %swap3A_842] : memref<3x512x64xf32, #tpu.memory_space<vmem>>, vector<1x128x16xf32>
      %swap3A_844 = vector.shape_cast %swap3A_843 : vector<1x128x16xf32> to vector<128x16xf32>
      %swap3A_845 = vector.shape_cast %get3A_839 : vector<128x16xf32> to vector<1x128x16xf32>
      tpu.vector_store %arg19[%swap3A_840, %swap3A_841, %swap3A_842], %swap3A_845 {strides = array<i32>} : memref<3x512x64xf32, #tpu.memory_space<vmem>>, vector<1x128x16xf32>,
      %transpose3A_846 = tpu.transpose %get3A_839, [1, 0] : vector<128x16xf32> -> vector<16x128xf32>
      %mul3A_847 = arith.constant -2.000000e+00 : f32
      %mul3A_848 = vector.broadcast %mul3A_847 : f32 to vector<16x128xf32>
      %mul3A_849 = arith.mulf %mul3A_848, %transpose3A_846 : vector<16x128xf32>
      %swap3A_850 = arith.constant 2 : index
      %swap3A_851 = arith.constant 48 : index
      %swap3A_852 = arith.constant 384 : index
      %swap3A_853 = vector.load %arg18[%swap3A_850, %swap3A_851, %swap3A_852] : memref<3x64x512xf32, #tpu.memory_space<vmem>>, vector<1x16x128xf32>
      %swap3A_854 = vector.shape_cast %swap3A_853 : vector<1x16x128xf32> to vector<16x128xf32>
      %swap3A_855 = vector.shape_cast %mul3A_849 : vector<16x128xf32> to vector<1x16x128xf32>
      tpu.vector_store %arg18[%swap3A_850, %swap3A_851, %swap3A_852], %swap3A_855 {strides = array<i32>} : memref<3x64x512xf32, #tpu.memory_space<vmem>>, vector<1x16x128xf32>,
      %iota3A_856 = tpu.iota {dimensions = array<i32: 0>} : vector<64x64xi32>
      %iota3A_857 = tpu.iota {dimensions = array<i32: 1>} : vector<64x64xi32>
      %eq3A_858 = arith.cmpi eq, %iota3A_856, %iota3A_857 : vector<64x64xi32>
      %convert_element_type3A_859 = arith.extui %eq3A_858 : vector<64x64xi1> to vector<64x64xi32>
      %convert_element_type3A_860 = arith.sitofp %convert_element_type3A_859 : vector<64x64xi32> to vector<64x64xf32>
      %iota3A_861 = tpu.iota {dimensions = array<i32: 0>} : vector<128x128xi32>
      %iota3A_862 = tpu.iota {dimensions = array<i32: 1>} : vector<128x128xi32>
      %eq3A_863 = arith.cmpi eq, %iota3A_861, %iota3A_862 : vector<128x128xi32>
      %convert_element_type3A_864 = arith.extui %eq3A_863 : vector<128x128xi1> to vector<128x128xi32>
      %convert_element_type3A_865 = arith.sitofp %convert_element_type3A_864 : vector<128x128xi32> to vector<128x128xf32>
      %get3A_866 = arith.constant 0 : index
      %get3A_867 = arith.constant 0 : index
      %get3A_868 = vector.load %arg3[%get3A_866, %get3A_867] : memref<3x64xf32, #tpu.memory_space<vmem>>, vector<1x64xf32>
      %dot_general3A_869 = arith.constant dense<0.000000e+00> : vector<64x1xf32>
      %dot_general3A_870 = tpu.matmul %convert_element_type3A_860, %get3A_868, %dot_general3A_869 {dimension_numbers = #tpu.dot_dimension_numbers<[1], [1], [0], [0], [0, 0, 1, 0], [], []>, transpose_lhs_hint = false} : vector<64x64xf32>, vector<1x64xf32>, vector<64x1xf32> -> vector<64x1xf32>
      %swap3A_871 = arith.constant 0 : index
      %swap3A_872 = arith.constant 0 : index
      %swap3A_873 = arith.constant 0 : index
      %swap3A_874 = arith.constant 0 : index
      %swap3A_875 = vector.load %arg21[%swap3A_871, %swap3A_872, %swap3A_873, %swap3A_874] : memref<6x3x64x1xf32, #tpu.memory_space<vmem>>, vector<1x1x64x1xf32>
      %swap3A_876 = vector.shape_cast %swap3A_875 : vector<1x1x64x1xf32> to vector<64x1xf32>
      %swap3A_877 = vector.shape_cast %dot_general3A_870 : vector<64x1xf32> to vector<1x1x64x1xf32>
      tpu.vector_store %arg21[%swap3A_871, %swap3A_872, %swap3A_873, %swap3A_874], %swap3A_877 {strides = array<i32>} : memref<6x3x64x1xf32, #tpu.memory_space<vmem>>, vector<1x1x64x1xf32>,
      %get3A_878 = arith.constant 1 : index
      %get3A_879 = arith.constant 0 : index
      %get3A_880 = vector.load %arg3[%get3A_878, %get3A_879] : memref<3x64xf32, #tpu.memory_space<vmem>>, vector<1x64xf32>
      %dot_general3A_881 = arith.constant dense<0.000000e+00> : vector<64x1xf32>
      %dot_general3A_882 = tpu.matmul %convert_element_type3A_860, %get3A_880, %dot_general3A_881 {dimension_numbers = #tpu.dot_dimension_numbers<[1], [1], [0], [0], [0, 0, 1, 0], [], []>, transpose_lhs_hint = false} : vector<64x64xf32>, vector<1x64xf32>, vector<64x1xf32> -> vector<64x1xf32>
      %swap3A_883 = arith.constant 0 : index
      %swap3A_884 = arith.constant 1 : index
      %swap3A_885 = arith.constant 0 : index
      %swap3A_886 = arith.constant 0 : index
      %swap3A_887 = vector.load %arg21[%swap3A_883, %swap3A_884, %swap3A_885, %swap3A_886] : memref<6x3x64x1xf32, #tpu.memory_space<vmem>>, vector<1x1x64x1xf32>
      %swap3A_888 = vector.shape_cast %swap3A_887 : vector<1x1x64x1xf32> to vector<64x1xf32>
      %swap3A_889 = vector.shape_cast %dot_general3A_882 : vector<64x1xf32> to vector<1x1x64x1xf32>
      tpu.vector_store %arg21[%swap3A_883, %swap3A_884, %swap3A_885, %swap3A_886], %swap3A_889 {strides = array<i32>} : memref<6x3x64x1xf32, #tpu.memory_space<vmem>>, vector<1x1x64x1xf32>,
      %get3A_890 = arith.constant 2 : index
      %get3A_891 = arith.constant 0 : index
      %get3A_892 = vector.load %arg3[%get3A_890, %get3A_891] : memref<3x64xf32, #tpu.memory_space<vmem>>, vector<1x64xf32>
      %dot_general3A_893 = arith.constant dense<0.000000e+00> : vector<64x1xf32>
      %dot_general3A_894 = tpu.matmul %convert_element_type3A_860, %get3A_892, %dot_general3A_893 {dimension_numbers = #tpu.dot_dimension_numbers<[1], [1], [0], [0], [0, 0, 1, 0], [], []>, transpose_lhs_hint = false} : vector<64x64xf32>, vector<1x64xf32>, vector<64x1xf32> -> vector<64x1xf32>
      %swap3A_895 = arith.constant 0 : index
      %swap3A_896 = arith.constant 2 : index
      %swap3A_897 = arith.constant 0 : index
      %swap3A_898 = arith.constant 0 : index
      %swap3A_899 = vector.load %arg21[%swap3A_895, %swap3A_896, %swap3A_897, %swap3A_898] : memref<6x3x64x1xf32, #tpu.memory_space<vmem>>, vector<1x1x64x1xf32>
      %swap3A_900 = vector.shape_cast %swap3A_899 : vector<1x1x64x1xf32> to vector<64x1xf32>
      %swap3A_901 = vector.shape_cast %dot_general3A_894 : vector<64x1xf32> to vector<1x1x64x1xf32>
      tpu.vector_store %arg21[%swap3A_895, %swap3A_896, %swap3A_897, %swap3A_898], %swap3A_901 {strides = array<i32>} : memref<6x3x64x1xf32, #tpu.memory_space<vmem>>, vector<1x1x64x1xf32>,
      %get3A_902 = arith.constant 0 : index
      %get3A_903 = arith.constant 0 : index
      %get3A_904 = vector.load %arg5[%get3A_902, %get3A_903] : memref<3x64xf32, #tpu.memory_space<vmem>>, vector<1x64xf32>
      %dot_general3A_905 = arith.constant dense<0.000000e+00> : vector<64x1xf32>
      %dot_general3A_906 = tpu.matmul %convert_element_type3A_860, %get3A_904, %dot_general3A_905 {dimension_numbers = #tpu.dot_dimension_numbers<[1], [1], [0], [0], [0, 0, 1, 0], [], []>, transpose_lhs_hint = false} : vector<64x64xf32>, vector<1x64xf32>, vector<64x1xf32> -> vector<64x1xf32>
      %swap3A_907 = arith.constant 1 : index
      %swap3A_908 = arith.constant 0 : index
      %swap3A_909 = arith.constant 0 : index
      %swap3A_910 = arith.constant 0 : index
      %swap3A_911 = vector.load %arg21[%swap3A_907, %swap3A_908, %swap3A_909, %swap3A_910] : memref<6x3x64x1xf32, #tpu.memory_space<vmem>>, vector<1x1x64x1xf32>
      %swap3A_912 = vector.shape_cast %swap3A_911 : vector<1x1x64x1xf32> to vector<64x1xf32>
      %swap3A_913 = vector.shape_cast %dot_general3A_906 : vector<64x1xf32> to vector<1x1x64x1xf32>
      tpu.vector_store %arg21[%swap3A_907, %swap3A_908, %swap3A_909, %swap3A_910], %swap3A_913 {strides = array<i32>} : memref<6x3x64x1xf32, #tpu.memory_space<vmem>>, vector<1x1x64x1xf32>,
      %get3A_914 = arith.constant 1 : index
      %get3A_915 = arith.constant 0 : index
      %get3A_916 = vector.load %arg5[%get3A_914, %get3A_915] : memref<3x64xf32, #tpu.memory_space<vmem>>, vector<1x64xf32>
      %dot_general3A_917 = arith.constant dense<0.000000e+00> : vector<64x1xf32>
      %dot_general3A_918 = tpu.matmul %convert_element_type3A_860, %get3A_916, %dot_general3A_917 {dimension_numbers = #tpu.dot_dimension_numbers<[1], [1], [0], [0], [0, 0, 1, 0], [], []>, transpose_lhs_hint = false} : vector<64x64xf32>, vector<1x64xf32>, vector<64x1xf32> -> vector<64x1xf32>
      %swap3A_919 = arith.constant 1 : index
      %swap3A_920 = arith.constant 1 : index
      %swap3A_921 = arith.constant 0 : index
      %swap3A_922 = arith.constant 0 : index
      %swap3A_923 = vector.load %arg21[%swap3A_919, %swap3A_920, %swap3A_921, %swap3A_922] : memref<6x3x64x1xf32, #tpu.memory_space<vmem>>, vector<1x1x64x1xf32>
      %swap3A_924 = vector.shape_cast %swap3A_923 : vector<1x1x64x1xf32> to vector<64x1xf32>
      %swap3A_925 = vector.shape_cast %dot_general3A_918 : vector<64x1xf32> to vector<1x1x64x1xf32>
      tpu.vector_store %arg21[%swap3A_919, %swap3A_920, %swap3A_921, %swap3A_922], %swap3A_925 {strides = array<i32>} : memref<6x3x64x1xf32, #tpu.memory_space<vmem>>, vector<1x1x64x1xf32>,
      %get3A_926 = arith.constant 2 : index
      %get3A_927 = arith.constant 0 : index
      %get3A_928 = vector.load %arg5[%get3A_926, %get3A_927] : memref<3x64xf32, #tpu.memory_space<vmem>>, vector<1x64xf32>
      %dot_general3A_929 = arith.constant dense<0.000000e+00> : vector<64x1xf32>
      %dot_general3A_930 = tpu.matmul %convert_element_type3A_860, %get3A_928, %dot_general3A_929 {dimension_numbers = #tpu.dot_dimension_numbers<[1], [1], [0], [0], [0, 0, 1, 0], [], []>, transpose_lhs_hint = false} : vector<64x64xf32>, vector<1x64xf32>, vector<64x1xf32> -> vector<64x1xf32>
      %swap3A_931 = arith.constant 1 : index
      %swap3A_932 = arith.constant 2 : index
      %swap3A_933 = arith.constant 0 : index
      %swap3A_934 = arith.constant 0 : index
      %swap3A_935 = vector.load %arg21[%swap3A_931, %swap3A_932, %swap3A_933, %swap3A_934] : memref<6x3x64x1xf32, #tpu.memory_space<vmem>>, vector<1x1x64x1xf32>
      %swap3A_936 = vector.shape_cast %swap3A_935 : vector<1x1x64x1xf32> to vector<64x1xf32>
      %swap3A_937 = vector.shape_cast %dot_general3A_930 : vector<64x1xf32> to vector<1x1x64x1xf32>
      tpu.vector_store %arg21[%swap3A_931, %swap3A_932, %swap3A_933, %swap3A_934], %swap3A_937 {strides = array<i32>} : memref<6x3x64x1xf32, #tpu.memory_space<vmem>>, vector<1x1x64x1xf32>,
      %get3A_938 = arith.constant 0 : index
      %get3A_939 = arith.constant 0 : index
      %get3A_940 = vector.load %arg7[%get3A_938, %get3A_939] : memref<3x64xf32, #tpu.memory_space<vmem>>, vector<1x64xf32>
      %dot_general3A_941 = arith.constant dense<0.000000e+00> : vector<64x1xf32>
      %dot_general3A_942 = tpu.matmul %convert_element_type3A_860, %get3A_940, %dot_general3A_941 {dimension_numbers = #tpu.dot_dimension_numbers<[1], [1], [0], [0], [0, 0, 1, 0], [], []>, transpose_lhs_hint = false} : vector<64x64xf32>, vector<1x64xf32>, vector<64x1xf32> -> vector<64x1xf32>
      %swap3A_943 = arith.constant 2 : index
      %swap3A_944 = arith.constant 0 : index
      %swap3A_945 = arith.constant 0 : index
      %swap3A_946 = arith.constant 0 : index
      %swap3A_947 = vector.load %arg21[%swap3A_943, %swap3A_944, %swap3A_945, %swap3A_946] : memref<6x3x64x1xf32, #tpu.memory_space<vmem>>, vector<1x1x64x1xf32>
      %swap3A_948 = vector.shape_cast %swap3A_947 : vector<1x1x64x1xf32> to vector<64x1xf32>
      %swap3A_949 = vector.shape_cast %dot_general3A_942 : vector<64x1xf32> to vector<1x1x64x1xf32>
      tpu.vector_store %arg21[%swap3A_943, %swap3A_944, %swap3A_945, %swap3A_946], %swap3A_949 {strides = array<i32>} : memref<6x3x64x1xf32, #tpu.memory_space<vmem>>, vector<1x1x64x1xf32>,
      %get3A_950 = arith.constant 1 : index
      %get3A_951 = arith.constant 0 : index
      %get3A_952 = vector.load %arg7[%get3A_950, %get3A_951] : memref<3x64xf32, #tpu.memory_space<vmem>>, vector<1x64xf32>
      %dot_general3A_953 = arith.constant dense<0.000000e+00> : vector<64x1xf32>
      %dot_general3A_954 = tpu.matmul %convert_element_type3A_860, %get3A_952, %dot_general3A_953 {dimension_numbers = #tpu.dot_dimension_numbers<[1], [1], [0], [0], [0, 0, 1, 0], [], []>, transpose_lhs_hint = false} : vector<64x64xf32>, vector<1x64xf32>, vector<64x1xf32> -> vector<64x1xf32>
      %swap3A_955 = arith.constant 2 : index
      %swap3A_956 = arith.constant 1 : index
      %swap3A_957 = arith.constant 0 : index
      %swap3A_958 = arith.constant 0 : index
      %swap3A_959 = vector.load %arg21[%swap3A_955, %swap3A_956, %swap3A_957, %swap3A_958] : memref<6x3x64x1xf32, #tpu.memory_space<vmem>>, vector<1x1x64x1xf32>
      %swap3A_960 = vector.shape_cast %swap3A_959 : vector<1x1x64x1xf32> to vector<64x1xf32>
      %swap3A_961 = vector.shape_cast %dot_general3A_954 : vector<64x1xf32> to vector<1x1x64x1xf32>
      tpu.vector_store %arg21[%swap3A_955, %swap3A_956, %swap3A_957, %swap3A_958], %swap3A_961 {strides = array<i32>} : memref<6x3x64x1xf32, #tpu.memory_space<vmem>>, vector<1x1x64x1xf32>,
      %get3A_962 = arith.constant 2 : index
      %get3A_963 = arith.constant 0 : index
      %get3A_964 = vector.load %arg7[%get3A_962, %get3A_963] : memref<3x64xf32, #tpu.memory_space<vmem>>, vector<1x64xf32>
      %dot_general3A_965 = arith.constant dense<0.000000e+00> : vector<64x1xf32>
      %dot_general3A_966 = tpu.matmul %convert_element_type3A_860, %get3A_964, %dot_general3A_965 {dimension_numbers = #tpu.dot_dimension_numbers<[1], [1], [0], [0], [0, 0, 1, 0], [], []>, transpose_lhs_hint = false} : vector<64x64xf32>, vector<1x64xf32>, vector<64x1xf32> -> vector<64x1xf32>
      %swap3A_967 = arith.constant 2 : index
      %swap3A_968 = arith.constant 2 : index
      %swap3A_969 = arith.constant 0 : index
      %swap3A_970 = arith.constant 0 : index
      %swap3A_971 = vector.load %arg21[%swap3A_967, %swap3A_968, %swap3A_969, %swap3A_970] : memref<6x3x64x1xf32, #tpu.memory_space<vmem>>, vector<1x1x64x1xf32>
      %swap3A_972 = vector.shape_cast %swap3A_971 : vector<1x1x64x1xf32> to vector<64x1xf32>
      %swap3A_973 = vector.shape_cast %dot_general3A_966 : vector<64x1xf32> to vector<1x1x64x1xf32>
      tpu.vector_store %arg21[%swap3A_967, %swap3A_968, %swap3A_969, %swap3A_970], %swap3A_973 {strides = array<i32>} : memref<6x3x64x1xf32, #tpu.memory_space<vmem>>, vector<1x1x64x1xf32>,
      %get3A_974 = arith.constant 0 : index
      %get3A_975 = arith.constant 0 : index
      %get3A_976 = vector.load %arg9[%get3A_974, %get3A_975] : memref<3x64xf32, #tpu.memory_space<vmem>>, vector<1x64xf32>
      %dot_general3A_977 = arith.constant dense<0.000000e+00> : vector<64x1xf32>
      %dot_general3A_978 = tpu.matmul %convert_element_type3A_860, %get3A_976, %dot_general3A_977 {dimension_numbers = #tpu.dot_dimension_numbers<[1], [1], [0], [0], [0, 0, 1, 0], [], []>, transpose_lhs_hint = false} : vector<64x64xf32>, vector<1x64xf32>, vector<64x1xf32> -> vector<64x1xf32>
      %swap3A_979 = arith.constant 3 : index
      %swap3A_980 = arith.constant 0 : index
      %swap3A_981 = arith.constant 0 : index
      %swap3A_982 = arith.constant 0 : index
      %swap3A_983 = vector.load %arg21[%swap3A_979, %swap3A_980, %swap3A_981, %swap3A_982] : memref<6x3x64x1xf32, #tpu.memory_space<vmem>>, vector<1x1x64x1xf32>
      %swap3A_984 = vector.shape_cast %swap3A_983 : vector<1x1x64x1xf32> to vector<64x1xf32>
      %swap3A_985 = vector.shape_cast %dot_general3A_978 : vector<64x1xf32> to vector<1x1x64x1xf32>
      tpu.vector_store %arg21[%swap3A_979, %swap3A_980, %swap3A_981, %swap3A_982], %swap3A_985 {strides = array<i32>} : memref<6x3x64x1xf32, #tpu.memory_space<vmem>>, vector<1x1x64x1xf32>,
      %get3A_986 = arith.constant 1 : index
      %get3A_987 = arith.constant 0 : index
      %get3A_988 = vector.load %arg9[%get3A_986, %get3A_987] : memref<3x64xf32, #tpu.memory_space<vmem>>, vector<1x64xf32>
      %dot_general3A_989 = arith.constant dense<0.000000e+00> : vector<64x1xf32>
      %dot_general3A_990 = tpu.matmul %convert_element_type3A_860, %get3A_988, %dot_general3A_989 {dimension_numbers = #tpu.dot_dimension_numbers<[1], [1], [0], [0], [0, 0, 1, 0], [], []>, transpose_lhs_hint = false} : vector<64x64xf32>, vector<1x64xf32>, vector<64x1xf32> -> vector<64x1xf32>
      %swap3A_991 = arith.constant 3 : index
      %swap3A_992 = arith.constant 1 : index
      %swap3A_993 = arith.constant 0 : index
      %swap3A_994 = arith.constant 0 : index
      %swap3A_995 = vector.load %arg21[%swap3A_991, %swap3A_992, %swap3A_993, %swap3A_994] : memref<6x3x64x1xf32, #tpu.memory_space<vmem>>, vector<1x1x64x1xf32>
      %swap3A_996 = vector.shape_cast %swap3A_995 : vector<1x1x64x1xf32> to vector<64x1xf32>
      %swap3A_997 = vector.shape_cast %dot_general3A_990 : vector<64x1xf32> to vector<1x1x64x1xf32>
      tpu.vector_store %arg21[%swap3A_991, %swap3A_992, %swap3A_993, %swap3A_994], %swap3A_997 {strides = array<i32>} : memref<6x3x64x1xf32, #tpu.memory_space<vmem>>, vector<1x1x64x1xf32>,
      %get3A_998 = arith.constant 2 : index
      %get3A_999 = arith.constant 0 : index
      %get3A_1000 = vector.load %arg9[%get3A_998, %get3A_999] : memref<3x64xf32, #tpu.memory_space<vmem>>, vector<1x64xf32>
      %dot_general3A_1001 = arith.constant dense<0.000000e+00> : vector<64x1xf32>
      %dot_general3A_1002 = tpu.matmul %convert_element_type3A_860, %get3A_1000, %dot_general3A_1001 {dimension_numbers = #tpu.dot_dimension_numbers<[1], [1], [0], [0], [0, 0, 1, 0], [], []>, transpose_lhs_hint = false} : vector<64x64xf32>, vector<1x64xf32>, vector<64x1xf32> -> vector<64x1xf32>
      %swap3A_1003 = arith.constant 3 : index
      %swap3A_1004 = arith.constant 2 : index
      %swap3A_1005 = arith.constant 0 : index
      %swap3A_1006 = arith.constant 0 : index
      %swap3A_1007 = vector.load %arg21[%swap3A_1003, %swap3A_1004, %swap3A_1005, %swap3A_1006] : memref<6x3x64x1xf32, #tpu.memory_space<vmem>>, vector<1x1x64x1xf32>
      %swap3A_1008 = vector.shape_cast %swap3A_1007 : vector<1x1x64x1xf32> to vector<64x1xf32>
      %swap3A_1009 = vector.shape_cast %dot_general3A_1002 : vector<64x1xf32> to vector<1x1x64x1xf32>
      tpu.vector_store %arg21[%swap3A_1003, %swap3A_1004, %swap3A_1005, %swap3A_1006], %swap3A_1009 {strides = array<i32>} : memref<6x3x64x1xf32, #tpu.memory_space<vmem>>, vector<1x1x64x1xf32>,
      %get3A_1010 = arith.constant 0 : index
      %get3A_1011 = arith.constant 0 : index
      %get3A_1012 = vector.load %arg11[%get3A_1010, %get3A_1011] : memref<3x64xf32, #tpu.memory_space<vmem>>, vector<1x64xf32>
      %dot_general3A_1013 = arith.constant dense<0.000000e+00> : vector<64x1xf32>
      %dot_general3A_1014 = tpu.matmul %convert_element_type3A_860, %get3A_1012, %dot_general3A_1013 {dimension_numbers = #tpu.dot_dimension_numbers<[1], [1], [0], [0], [0, 0, 1, 0], [], []>, transpose_lhs_hint = false} : vector<64x64xf32>, vector<1x64xf32>, vector<64x1xf32> -> vector<64x1xf32>
      %swap3A_1015 = arith.constant 4 : index
      %swap3A_1016 = arith.constant 0 : index
      %swap3A_1017 = arith.constant 0 : index
      %swap3A_1018 = arith.constant 0 : index
      %swap3A_1019 = vector.load %arg21[%swap3A_1015, %swap3A_1016, %swap3A_1017, %swap3A_1018] : memref<6x3x64x1xf32, #tpu.memory_space<vmem>>, vector<1x1x64x1xf32>
      %swap3A_1020 = vector.shape_cast %swap3A_1019 : vector<1x1x64x1xf32> to vector<64x1xf32>
      %swap3A_1021 = vector.shape_cast %dot_general3A_1014 : vector<64x1xf32> to vector<1x1x64x1xf32>
      tpu.vector_store %arg21[%swap3A_1015, %swap3A_1016, %swap3A_1017, %swap3A_1018], %swap3A_1021 {strides = array<i32>} : memref<6x3x64x1xf32, #tpu.memory_space<vmem>>, vector<1x1x64x1xf32>,
      %get3A_1022 = arith.constant 1 : index
      %get3A_1023 = arith.constant 0 : index
      %get3A_1024 = vector.load %arg11[%get3A_1022, %get3A_1023] : memref<3x64xf32, #tpu.memory_space<vmem>>, vector<1x64xf32>
      %dot_general3A_1025 = arith.constant dense<0.000000e+00> : vector<64x1xf32>
      %dot_general3A_1026 = tpu.matmul %convert_element_type3A_860, %get3A_1024, %dot_general3A_1025 {dimension_numbers = #tpu.dot_dimension_numbers<[1], [1], [0], [0], [0, 0, 1, 0], [], []>, transpose_lhs_hint = false} : vector<64x64xf32>, vector<1x64xf32>, vector<64x1xf32> -> vector<64x1xf32>
      %swap3A_1027 = arith.constant 4 : index
      %swap3A_1028 = arith.constant 1 : index
      %swap3A_1029 = arith.constant 0 : index
      %swap3A_1030 = arith.constant 0 : index
      %swap3A_1031 = vector.load %arg21[%swap3A_1027, %swap3A_1028, %swap3A_1029, %swap3A_1030] : memref<6x3x64x1xf32, #tpu.memory_space<vmem>>, vector<1x1x64x1xf32>
      %swap3A_1032 = vector.shape_cast %swap3A_1031 : vector<1x1x64x1xf32> to vector<64x1xf32>
      %swap3A_1033 = vector.shape_cast %dot_general3A_1026 : vector<64x1xf32> to vector<1x1x64x1xf32>
      tpu.vector_store %arg21[%swap3A_1027, %swap3A_1028, %swap3A_1029, %swap3A_1030], %swap3A_1033 {strides = array<i32>} : memref<6x3x64x1xf32, #tpu.memory_space<vmem>>, vector<1x1x64x1xf32>,
      %get3A_1034 = arith.constant 2 : index
      %get3A_1035 = arith.constant 0 : index
      %get3A_1036 = vector.load %arg11[%get3A_1034, %get3A_1035] : memref<3x64xf32, #tpu.memory_space<vmem>>, vector<1x64xf32>
      %dot_general3A_1037 = arith.constant dense<0.000000e+00> : vector<64x1xf32>
      %dot_general3A_1038 = tpu.matmul %convert_element_type3A_860, %get3A_1036, %dot_general3A_1037 {dimension_numbers = #tpu.dot_dimension_numbers<[1], [1], [0], [0], [0, 0, 1, 0], [], []>, transpose_lhs_hint = false} : vector<64x64xf32>, vector<1x64xf32>, vector<64x1xf32> -> vector<64x1xf32>
      %swap3A_1039 = arith.constant 4 : index
      %swap3A_1040 = arith.constant 2 : index
      %swap3A_1041 = arith.constant 0 : index
      %swap3A_1042 = arith.constant 0 : index
      %swap3A_1043 = vector.load %arg21[%swap3A_1039, %swap3A_1040, %swap3A_1041, %swap3A_1042] : memref<6x3x64x1xf32, #tpu.memory_space<vmem>>, vector<1x1x64x1xf32>
      %swap3A_1044 = vector.shape_cast %swap3A_1043 : vector<1x1x64x1xf32> to vector<64x1xf32>
      %swap3A_1045 = vector.shape_cast %dot_general3A_1038 : vector<64x1xf32> to vector<1x1x64x1xf32>
      tpu.vector_store %arg21[%swap3A_1039, %swap3A_1040, %swap3A_1041, %swap3A_1042], %swap3A_1045 {strides = array<i32>} : memref<6x3x64x1xf32, #tpu.memory_space<vmem>>, vector<1x1x64x1xf32>,
      %get3A_1046 = arith.constant 0 : index
      %get3A_1047 = arith.constant 0 : index
      %get3A_1048 = vector.load %arg13[%get3A_1046, %get3A_1047] : memref<3x64xf32, #tpu.memory_space<vmem>>, vector<1x64xf32>
      %dot_general3A_1049 = arith.constant dense<0.000000e+00> : vector<64x1xf32>
      %dot_general3A_1050 = tpu.matmul %convert_element_type3A_860, %get3A_1048, %dot_general3A_1049 {dimension_numbers = #tpu.dot_dimension_numbers<[1], [1], [0], [0], [0, 0, 1, 0], [], []>, transpose_lhs_hint = false} : vector<64x64xf32>, vector<1x64xf32>, vector<64x1xf32> -> vector<64x1xf32>
      %swap3A_1051 = arith.constant 5 : index
      %swap3A_1052 = arith.constant 0 : index
      %swap3A_1053 = arith.constant 0 : index
      %swap3A_1054 = arith.constant 0 : index
      %swap3A_1055 = vector.load %arg21[%swap3A_1051, %swap3A_1052, %swap3A_1053, %swap3A_1054] : memref<6x3x64x1xf32, #tpu.memory_space<vmem>>, vector<1x1x64x1xf32>
      %swap3A_1056 = vector.shape_cast %swap3A_1055 : vector<1x1x64x1xf32> to vector<64x1xf32>
      %swap3A_1057 = vector.shape_cast %dot_general3A_1050 : vector<64x1xf32> to vector<1x1x64x1xf32>
      tpu.vector_store %arg21[%swap3A_1051, %swap3A_1052, %swap3A_1053, %swap3A_1054], %swap3A_1057 {strides = array<i32>} : memref<6x3x64x1xf32, #tpu.memory_space<vmem>>, vector<1x1x64x1xf32>,
      %get3A_1058 = arith.constant 1 : index
      %get3A_1059 = arith.constant 0 : index
      %get3A_1060 = vector.load %arg13[%get3A_1058, %get3A_1059] : memref<3x64xf32, #tpu.memory_space<vmem>>, vector<1x64xf32>
      %dot_general3A_1061 = arith.constant dense<0.000000e+00> : vector<64x1xf32>
      %dot_general3A_1062 = tpu.matmul %convert_element_type3A_860, %get3A_1060, %dot_general3A_1061 {dimension_numbers = #tpu.dot_dimension_numbers<[1], [1], [0], [0], [0, 0, 1, 0], [], []>, transpose_lhs_hint = false} : vector<64x64xf32>, vector<1x64xf32>, vector<64x1xf32> -> vector<64x1xf32>
      %swap3A_1063 = arith.constant 5 : index
      %swap3A_1064 = arith.constant 1 : index
      %swap3A_1065 = arith.constant 0 : index
      %swap3A_1066 = arith.constant 0 : index
      %swap3A_1067 = vector.load %arg21[%swap3A_1063, %swap3A_1064, %swap3A_1065, %swap3A_1066] : memref<6x3x64x1xf32, #tpu.memory_space<vmem>>, vector<1x1x64x1xf32>
      %swap3A_1068 = vector.shape_cast %swap3A_1067 : vector<1x1x64x1xf32> to vector<64x1xf32>
      %swap3A_1069 = vector.shape_cast %dot_general3A_1062 : vector<64x1xf32> to vector<1x1x64x1xf32>
      tpu.vector_store %arg21[%swap3A_1063, %swap3A_1064, %swap3A_1065, %swap3A_1066], %swap3A_1069 {strides = array<i32>} : memref<6x3x64x1xf32, #tpu.memory_space<vmem>>, vector<1x1x64x1xf32>,
      %get3A_1070 = arith.constant 2 : index
      %get3A_1071 = arith.constant 0 : index
      %get3A_1072 = vector.load %arg13[%get3A_1070, %get3A_1071] : memref<3x64xf32, #tpu.memory_space<vmem>>, vector<1x64xf32>
      %dot_general3A_1073 = arith.constant dense<0.000000e+00> : vector<64x1xf32>
      %dot_general3A_1074 = tpu.matmul %convert_element_type3A_860, %get3A_1072, %dot_general3A_1073 {dimension_numbers = #tpu.dot_dimension_numbers<[1], [1], [0], [0], [0, 0, 1, 0], [], []>, transpose_lhs_hint = false} : vector<64x64xf32>, vector<1x64xf32>, vector<64x1xf32> -> vector<64x1xf32>
      %swap3A_1075 = arith.constant 5 : index
      %swap3A_1076 = arith.constant 2 : index
      %swap3A_1077 = arith.constant 0 : index
      %swap3A_1078 = arith.constant 0 : index
      %swap3A_1079 = vector.load %arg21[%swap3A_1075, %swap3A_1076, %swap3A_1077, %swap3A_1078] : memref<6x3x64x1xf32, #tpu.memory_space<vmem>>, vector<1x1x64x1xf32>
      %swap3A_1080 = vector.shape_cast %swap3A_1079 : vector<1x1x64x1xf32> to vector<64x1xf32>
      %swap3A_1081 = vector.shape_cast %dot_general3A_1074 : vector<64x1xf32> to vector<1x1x64x1xf32>
      tpu.vector_store %arg21[%swap3A_1075, %swap3A_1076, %swap3A_1077, %swap3A_1078], %swap3A_1081 {strides = array<i32>} : memref<6x3x64x1xf32, #tpu.memory_space<vmem>>, vector<1x1x64x1xf32>,
      %get3A_1082 = arith.constant 0 : index
      %get3A_1083 = arith.constant 0 : index
      %get3A_1084 = arith.constant 0 : index
      %get3A_1085 = vector.load %arg15[%get3A_1082, %get3A_1083, %get3A_1084] : memref<3x4x128xf32, #tpu.memory_space<vmem>>, vector<1x1x128xf32>
      %get3A_1086 = vector.shape_cast %get3A_1085 : vector<1x1x128xf32> to vector<1x128xf32>
      %dot_general3A_1087 = arith.constant dense<0.000000e+00> : vector<128x1xf32>
      %dot_general3A_1088 = tpu.matmul %convert_element_type3A_865, %get3A_1086, %dot_general3A_1087 {dimension_numbers = #tpu.dot_dimension_numbers<[1], [1], [0], [0], [0, 0, 1, 0], [], []>, transpose_lhs_hint = false} : vector<128x128xf32>, vector<1x128xf32>, vector<128x1xf32> -> vector<128x1xf32>
      %swap3A_1089 = arith.constant 0 : index
      %swap3A_1090 = arith.constant 0 : index
      %swap3A_1091 = arith.constant 0 : index
      %swap3A_1092 = vector.load %arg20[%swap3A_1089, %swap3A_1090, %swap3A_1091] : memref<3x512x1xf32, #tpu.memory_space<vmem>>, vector<1x128x1xf32>
      %swap3A_1093 = vector.shape_cast %swap3A_1092 : vector<1x128x1xf32> to vector<128x1xf32>
      %swap3A_1094 = vector.shape_cast %dot_general3A_1088 : vector<128x1xf32> to vector<1x128x1xf32>
      tpu.vector_store %arg20[%swap3A_1089, %swap3A_1090, %swap3A_1091], %swap3A_1094 {strides = array<i32>} : memref<3x512x1xf32, #tpu.memory_space<vmem>>, vector<1x128x1xf32>,
      %get3A_1095 = arith.constant 0 : index
      %get3A_1096 = arith.constant 1 : index
      %get3A_1097 = arith.constant 0 : index
      %get3A_1098 = vector.load %arg15[%get3A_1095, %get3A_1096, %get3A_1097] : memref<3x4x128xf32, #tpu.memory_space<vmem>>, vector<1x1x128xf32>
      %get3A_1099 = vector.shape_cast %get3A_1098 : vector<1x1x128xf32> to vector<1x128xf32>
      %dot_general3A_1100 = arith.constant dense<0.000000e+00> : vector<128x1xf32>
      %dot_general3A_1101 = tpu.matmul %convert_element_type3A_865, %get3A_1099, %dot_general3A_1100 {dimension_numbers = #tpu.dot_dimension_numbers<[1], [1], [0], [0], [0, 0, 1, 0], [], []>, transpose_lhs_hint = false} : vector<128x128xf32>, vector<1x128xf32>, vector<128x1xf32> -> vector<128x1xf32>
      %swap3A_1102 = arith.constant 0 : index
      %swap3A_1103 = arith.constant 128 : index
      %swap3A_1104 = arith.constant 0 : index
      %swap3A_1105 = vector.load %arg20[%swap3A_1102, %swap3A_1103, %swap3A_1104] : memref<3x512x1xf32, #tpu.memory_space<vmem>>, vector<1x128x1xf32>
      %swap3A_1106 = vector.shape_cast %swap3A_1105 : vector<1x128x1xf32> to vector<128x1xf32>
      %swap3A_1107 = vector.shape_cast %dot_general3A_1101 : vector<128x1xf32> to vector<1x128x1xf32>
      tpu.vector_store %arg20[%swap3A_1102, %swap3A_1103, %swap3A_1104], %swap3A_1107 {strides = array<i32>} : memref<3x512x1xf32, #tpu.memory_space<vmem>>, vector<1x128x1xf32>,
      %get3A_1108 = arith.constant 0 : index
      %get3A_1109 = arith.constant 2 : index
      %get3A_1110 = arith.constant 0 : index
      %get3A_1111 = vector.load %arg15[%get3A_1108, %get3A_1109, %get3A_1110] : memref<3x4x128xf32, #tpu.memory_space<vmem>>, vector<1x1x128xf32>
      %get3A_1112 = vector.shape_cast %get3A_1111 : vector<1x1x128xf32> to vector<1x128xf32>
      %dot_general3A_1113 = arith.constant dense<0.000000e+00> : vector<128x1xf32>
      %dot_general3A_1114 = tpu.matmul %convert_element_type3A_865, %get3A_1112, %dot_general3A_1113 {dimension_numbers = #tpu.dot_dimension_numbers<[1], [1], [0], [0], [0, 0, 1, 0], [], []>, transpose_lhs_hint = false} : vector<128x128xf32>, vector<1x128xf32>, vector<128x1xf32> -> vector<128x1xf32>
      %swap3A_1115 = arith.constant 0 : index
      %swap3A_1116 = arith.constant 256 : index
      %swap3A_1117 = arith.constant 0 : index
      %swap3A_1118 = vector.load %arg20[%swap3A_1115, %swap3A_1116, %swap3A_1117] : memref<3x512x1xf32, #tpu.memory_space<vmem>>, vector<1x128x1xf32>
      %swap3A_1119 = vector.shape_cast %swap3A_1118 : vector<1x128x1xf32> to vector<128x1xf32>
      %swap3A_1120 = vector.shape_cast %dot_general3A_1114 : vector<128x1xf32> to vector<1x128x1xf32>
      tpu.vector_store %arg20[%swap3A_1115, %swap3A_1116, %swap3A_1117], %swap3A_1120 {strides = array<i32>} : memref<3x512x1xf32, #tpu.memory_space<vmem>>, vector<1x128x1xf32>,
      %get3A_1121 = arith.constant 0 : index
      %get3A_1122 = arith.constant 3 : index
      %get3A_1123 = arith.constant 0 : index
      %get3A_1124 = vector.load %arg15[%get3A_1121, %get3A_1122, %get3A_1123] : memref<3x4x128xf32, #tpu.memory_space<vmem>>, vector<1x1x128xf32>
      %get3A_1125 = vector.shape_cast %get3A_1124 : vector<1x1x128xf32> to vector<1x128xf32>
      %dot_general3A_1126 = arith.constant dense<0.000000e+00> : vector<128x1xf32>
      %dot_general3A_1127 = tpu.matmul %convert_element_type3A_865, %get3A_1125, %dot_general3A_1126 {dimension_numbers = #tpu.dot_dimension_numbers<[1], [1], [0], [0], [0, 0, 1, 0], [], []>, transpose_lhs_hint = false} : vector<128x128xf32>, vector<1x128xf32>, vector<128x1xf32> -> vector<128x1xf32>
      %swap3A_1128 = arith.constant 0 : index
      %swap3A_1129 = arith.constant 384 : index
      %swap3A_1130 = arith.constant 0 : index
      %swap3A_1131 = vector.load %arg20[%swap3A_1128, %swap3A_1129, %swap3A_1130] : memref<3x512x1xf32, #tpu.memory_space<vmem>>, vector<1x128x1xf32>
      %swap3A_1132 = vector.shape_cast %swap3A_1131 : vector<1x128x1xf32> to vector<128x1xf32>
      %swap3A_1133 = vector.shape_cast %dot_general3A_1127 : vector<128x1xf32> to vector<1x128x1xf32>
      tpu.vector_store %arg20[%swap3A_1128, %swap3A_1129, %swap3A_1130], %swap3A_1133 {strides = array<i32>} : memref<3x512x1xf32, #tpu.memory_space<vmem>>, vector<1x128x1xf32>,
      %get3A_1134 = arith.constant 1 : index
      %get3A_1135 = arith.constant 0 : index
      %get3A_1136 = arith.constant 0 : index
      %get3A_1137 = vector.load %arg15[%get3A_1134, %get3A_1135, %get3A_1136] : memref<3x4x128xf32, #tpu.memory_space<vmem>>, vector<1x1x128xf32>
      %get3A_1138 = vector.shape_cast %get3A_1137 : vector<1x1x128xf32> to vector<1x128xf32>
      %dot_general3A_1139 = arith.constant dense<0.000000e+00> : vector<128x1xf32>
      %dot_general3A_1140 = tpu.matmul %convert_element_type3A_865, %get3A_1138, %dot_general3A_1139 {dimension_numbers = #tpu.dot_dimension_numbers<[1], [1], [0], [0], [0, 0, 1, 0], [], []>, transpose_lhs_hint = false} : vector<128x128xf32>, vector<1x128xf32>, vector<128x1xf32> -> vector<128x1xf32>
      %swap3A_1141 = arith.constant 1 : index
      %swap3A_1142 = arith.constant 0 : index
      %swap3A_1143 = arith.constant 0 : index
      %swap3A_1144 = vector.load %arg20[%swap3A_1141, %swap3A_1142, %swap3A_1143] : memref<3x512x1xf32, #tpu.memory_space<vmem>>, vector<1x128x1xf32>
      %swap3A_1145 = vector.shape_cast %swap3A_1144 : vector<1x128x1xf32> to vector<128x1xf32>
      %swap3A_1146 = vector.shape_cast %dot_general3A_1140 : vector<128x1xf32> to vector<1x128x1xf32>
      tpu.vector_store %arg20[%swap3A_1141, %swap3A_1142, %swap3A_1143], %swap3A_1146 {strides = array<i32>} : memref<3x512x1xf32, #tpu.memory_space<vmem>>, vector<1x128x1xf32>,
      %get3A_1147 = arith.constant 1 : index
      %get3A_1148 = arith.constant 1 : index
      %get3A_1149 = arith.constant 0 : index
      %get3A_1150 = vector.load %arg15[%get3A_1147, %get3A_1148, %get3A_1149] : memref<3x4x128xf32, #tpu.memory_space<vmem>>, vector<1x1x128xf32>
      %get3A_1151 = vector.shape_cast %get3A_1150 : vector<1x1x128xf32> to vector<1x128xf32>
      %dot_general3A_1152 = arith.constant dense<0.000000e+00> : vector<128x1xf32>
      %dot_general3A_1153 = tpu.matmul %convert_element_type3A_865, %get3A_1151, %dot_general3A_1152 {dimension_numbers = #tpu.dot_dimension_numbers<[1], [1], [0], [0], [0, 0, 1, 0], [], []>, transpose_lhs_hint = false} : vector<128x128xf32>, vector<1x128xf32>, vector<128x1xf32> -> vector<128x1xf32>
      %swap3A_1154 = arith.constant 1 : index
      %swap3A_1155 = arith.constant 128 : index
      %swap3A_1156 = arith.constant 0 : index
      %swap3A_1157 = vector.load %arg20[%swap3A_1154, %swap3A_1155, %swap3A_1156] : memref<3x512x1xf32, #tpu.memory_space<vmem>>, vector<1x128x1xf32>
      %swap3A_1158 = vector.shape_cast %swap3A_1157 : vector<1x128x1xf32> to vector<128x1xf32>
      %swap3A_1159 = vector.shape_cast %dot_general3A_1153 : vector<128x1xf32> to vector<1x128x1xf32>
      tpu.vector_store %arg20[%swap3A_1154, %swap3A_1155, %swap3A_1156], %swap3A_1159 {strides = array<i32>} : memref<3x512x1xf32, #tpu.memory_space<vmem>>, vector<1x128x1xf32>,
      %get3A_1160 = arith.constant 1 : index
      %get3A_1161 = arith.constant 2 : index
      %get3A_1162 = arith.constant 0 : index
      %get3A_1163 = vector.load %arg15[%get3A_1160, %get3A_1161, %get3A_1162] : memref<3x4x128xf32, #tpu.memory_space<vmem>>, vector<1x1x128xf32>
      %get3A_1164 = vector.shape_cast %get3A_1163 : vector<1x1x128xf32> to vector<1x128xf32>
      %dot_general3A_1165 = arith.constant dense<0.000000e+00> : vector<128x1xf32>
      %dot_general3A_1166 = tpu.matmul %convert_element_type3A_865, %get3A_1164, %dot_general3A_1165 {dimension_numbers = #tpu.dot_dimension_numbers<[1], [1], [0], [0], [0, 0, 1, 0], [], []>, transpose_lhs_hint = false} : vector<128x128xf32>, vector<1x128xf32>, vector<128x1xf32> -> vector<128x1xf32>
      %swap3A_1167 = arith.constant 1 : index
      %swap3A_1168 = arith.constant 256 : index
      %swap3A_1169 = arith.constant 0 : index
      %swap3A_1170 = vector.load %arg20[%swap3A_1167, %swap3A_1168, %swap3A_1169] : memref<3x512x1xf32, #tpu.memory_space<vmem>>, vector<1x128x1xf32>
      %swap3A_1171 = vector.shape_cast %swap3A_1170 : vector<1x128x1xf32> to vector<128x1xf32>
      %swap3A_1172 = vector.shape_cast %dot_general3A_1166 : vector<128x1xf32> to vector<1x128x1xf32>
      tpu.vector_store %arg20[%swap3A_1167, %swap3A_1168, %swap3A_1169], %swap3A_1172 {strides = array<i32>} : memref<3x512x1xf32, #tpu.memory_space<vmem>>, vector<1x128x1xf32>,
      %get3A_1173 = arith.constant 1 : index
      %get3A_1174 = arith.constant 3 : index
      %get3A_1175 = arith.constant 0 : index
      %get3A_1176 = vector.load %arg15[%get3A_1173, %get3A_1174, %get3A_1175] : memref<3x4x128xf32, #tpu.memory_space<vmem>>, vector<1x1x128xf32>
      %get3A_1177 = vector.shape_cast %get3A_1176 : vector<1x1x128xf32> to vector<1x128xf32>
      %dot_general3A_1178 = arith.constant dense<0.000000e+00> : vector<128x1xf32>
      %dot_general3A_1179 = tpu.matmul %convert_element_type3A_865, %get3A_1177, %dot_general3A_1178 {dimension_numbers = #tpu.dot_dimension_numbers<[1], [1], [0], [0], [0, 0, 1, 0], [], []>, transpose_lhs_hint = false} : vector<128x128xf32>, vector<1x128xf32>, vector<128x1xf32> -> vector<128x1xf32>
      %swap3A_1180 = arith.constant 1 : index
      %swap3A_1181 = arith.constant 384 : index
      %swap3A_1182 = arith.constant 0 : index
      %swap3A_1183 = vector.load %arg20[%swap3A_1180, %swap3A_1181, %swap3A_1182] : memref<3x512x1xf32, #tpu.memory_space<vmem>>, vector<1x128x1xf32>
      %swap3A_1184 = vector.shape_cast %swap3A_1183 : vector<1x128x1xf32> to vector<128x1xf32>
      %swap3A_1185 = vector.shape_cast %dot_general3A_1179 : vector<128x1xf32> to vector<1x128x1xf32>
      tpu.vector_store %arg20[%swap3A_1180, %swap3A_1181, %swap3A_1182], %swap3A_1185 {strides = array<i32>} : memref<3x512x1xf32, #tpu.memory_space<vmem>>, vector<1x128x1xf32>,
      %get3A_1186 = arith.constant 2 : index
      %get3A_1187 = arith.constant 0 : index
      %get3A_1188 = arith.constant 0 : index
      %get3A_1189 = vector.load %arg15[%get3A_1186, %get3A_1187, %get3A_1188] : memref<3x4x128xf32, #tpu.memory_space<vmem>>, vector<1x1x128xf32>
      %get3A_1190 = vector.shape_cast %get3A_1189 : vector<1x1x128xf32> to vector<1x128xf32>
      %dot_general3A_1191 = arith.constant dense<0.000000e+00> : vector<128x1xf32>
      %dot_general3A_1192 = tpu.matmul %convert_element_type3A_865, %get3A_1190, %dot_general3A_1191 {dimension_numbers = #tpu.dot_dimension_numbers<[1], [1], [0], [0], [0, 0, 1, 0], [], []>, transpose_lhs_hint = false} : vector<128x128xf32>, vector<1x128xf32>, vector<128x1xf32> -> vector<128x1xf32>
      %swap3A_1193 = arith.constant 2 : index
      %swap3A_1194 = arith.constant 0 : index
      %swap3A_1195 = arith.constant 0 : index
      %swap3A_1196 = vector.load %arg20[%swap3A_1193, %swap3A_1194, %swap3A_1195] : memref<3x512x1xf32, #tpu.memory_space<vmem>>, vector<1x128x1xf32>
      %swap3A_1197 = vector.shape_cast %swap3A_1196 : vector<1x128x1xf32> to vector<128x1xf32>
      %swap3A_1198 = vector.shape_cast %dot_general3A_1192 : vector<128x1xf32> to vector<1x128x1xf32>
      tpu.vector_store %arg20[%swap3A_1193, %swap3A_1194, %swap3A_1195], %swap3A_1198 {strides = array<i32>} : memref<3x512x1xf32, #tpu.memory_space<vmem>>, vector<1x128x1xf32>,
      %get3A_1199 = arith.constant 2 : index
      %get3A_1200 = arith.constant 1 : index
      %get3A_1201 = arith.constant 0 : index
      %get3A_1202 = vector.load %arg15[%get3A_1199, %get3A_1200, %get3A_1201] : memref<3x4x128xf32, #tpu.memory_space<vmem>>, vector<1x1x128xf32>
      %get3A_1203 = vector.shape_cast %get3A_1202 : vector<1x1x128xf32> to vector<1x128xf32>
      %dot_general3A_1204 = arith.constant dense<0.000000e+00> : vector<128x1xf32>
      %dot_general3A_1205 = tpu.matmul %convert_element_type3A_865, %get3A_1203, %dot_general3A_1204 {dimension_numbers = #tpu.dot_dimension_numbers<[1], [1], [0], [0], [0, 0, 1, 0], [], []>, transpose_lhs_hint = false} : vector<128x128xf32>, vector<1x128xf32>, vector<128x1xf32> -> vector<128x1xf32>
      %swap3A_1206 = arith.constant 2 : index
      %swap3A_1207 = arith.constant 128 : index
      %swap3A_1208 = arith.constant 0 : index
      %swap3A_1209 = vector.load %arg20[%swap3A_1206, %swap3A_1207, %swap3A_1208] : memref<3x512x1xf32, #tpu.memory_space<vmem>>, vector<1x128x1xf32>
      %swap3A_1210 = vector.shape_cast %swap3A_1209 : vector<1x128x1xf32> to vector<128x1xf32>
      %swap3A_1211 = vector.shape_cast %dot_general3A_1205 : vector<128x1xf32> to vector<1x128x1xf32>
      tpu.vector_store %arg20[%swap3A_1206, %swap3A_1207, %swap3A_1208], %swap3A_1211 {strides = array<i32>} : memref<3x512x1xf32, #tpu.memory_space<vmem>>, vector<1x128x1xf32>,
      %get3A_1212 = arith.constant 2 : index
      %get3A_1213 = arith.constant 2 : index
      %get3A_1214 = arith.constant 0 : index
      %get3A_1215 = vector.load %arg15[%get3A_1212, %get3A_1213, %get3A_1214] : memref<3x4x128xf32, #tpu.memory_space<vmem>>, vector<1x1x128xf32>
      %get3A_1216 = vector.shape_cast %get3A_1215 : vector<1x1x128xf32> to vector<1x128xf32>
      %dot_general3A_1217 = arith.constant dense<0.000000e+00> : vector<128x1xf32>
      %dot_general3A_1218 = tpu.matmul %convert_element_type3A_865, %get3A_1216, %dot_general3A_1217 {dimension_numbers = #tpu.dot_dimension_numbers<[1], [1], [0], [0], [0, 0, 1, 0], [], []>, transpose_lhs_hint = false} : vector<128x128xf32>, vector<1x128xf32>, vector<128x1xf32> -> vector<128x1xf32>
      %swap3A_1219 = arith.constant 2 : index
      %swap3A_1220 = arith.constant 256 : index
      %swap3A_1221 = arith.constant 0 : index
      %swap3A_1222 = vector.load %arg20[%swap3A_1219, %swap3A_1220, %swap3A_1221] : memref<3x512x1xf32, #tpu.memory_space<vmem>>, vector<1x128x1xf32>
      %swap3A_1223 = vector.shape_cast %swap3A_1222 : vector<1x128x1xf32> to vector<128x1xf32>
      %swap3A_1224 = vector.shape_cast %dot_general3A_1218 : vector<128x1xf32> to vector<1x128x1xf32>
      tpu.vector_store %arg20[%swap3A_1219, %swap3A_1220, %swap3A_1221], %swap3A_1224 {strides = array<i32>} : memref<3x512x1xf32, #tpu.memory_space<vmem>>, vector<1x128x1xf32>,
      %get3A_1225 = arith.constant 2 : index
      %get3A_1226 = arith.constant 3 : index
      %get3A_1227 = arith.constant 0 : index
      %get3A_1228 = vector.load %arg15[%get3A_1225, %get3A_1226, %get3A_1227] : memref<3x4x128xf32, #tpu.memory_space<vmem>>, vector<1x1x128xf32>
      %get3A_1229 = vector.shape_cast %get3A_1228 : vector<1x1x128xf32> to vector<1x128xf32>
      %dot_general3A_1230 = arith.constant dense<0.000000e+00> : vector<128x1xf32>
      %dot_general3A_1231 = tpu.matmul %convert_element_type3A_865, %get3A_1229, %dot_general3A_1230 {dimension_numbers = #tpu.dot_dimension_numbers<[1], [1], [0], [0], [0, 0, 1, 0], [], []>, transpose_lhs_hint = false} : vector<128x128xf32>, vector<1x128xf32>, vector<128x1xf32> -> vector<128x1xf32>
      %swap3A_1232 = arith.constant 2 : index
      %swap3A_1233 = arith.constant 384 : index
      %swap3A_1234 = arith.constant 0 : index
      %swap3A_1235 = vector.load %arg20[%swap3A_1232, %swap3A_1233, %swap3A_1234] : memref<3x512x1xf32, #tpu.memory_space<vmem>>, vector<1x128x1xf32>
      %swap3A_1236 = vector.shape_cast %swap3A_1235 : vector<1x128x1xf32> to vector<128x1xf32>
      %swap3A_1237 = vector.shape_cast %dot_general3A_1231 : vector<128x1xf32> to vector<1x128x1xf32>
      tpu.vector_store %arg20[%swap3A_1232, %swap3A_1233, %swap3A_1234], %swap3A_1237 {strides = array<i32>} : memref<3x512x1xf32, #tpu.memory_space<vmem>>, vector<1x128x1xf32>,
    } else {
    }
    %get3A = arith.constant 0 : index
    %get3A_2 = arith.constant 0 : index
    %get3A_3 = arith.constant 0 : index
    %get3A_4 = arith.constant 0 : index
    %get3A_5 = vector.load %arg21[%get3A, %get3A_2, %get3A_3, %get3A_4] : memref<6x3x64x1xf32, #tpu.memory_space<vmem>>, vector<1x3x64x1xf32>
    %get3A_6 = vector.shape_cast %get3A_5 : vector<1x3x64x1xf32> to vector<3x64x1xf32>
    %get3A_7 = arith.constant 1 : index
    %get3A_8 = arith.constant 0 : index
    %get3A_9 = arith.constant 0 : index
    %get3A_10 = arith.constant 0 : index
    %get3A_11 = vector.load %arg21[%get3A_7, %get3A_8, %get3A_9, %get3A_10] : memref<6x3x64x1xf32, #tpu.memory_space<vmem>>, vector<1x3x64x1xf32>
    %get3A_12 = vector.shape_cast %get3A_11 : vector<1x3x64x1xf32> to vector<3x64x1xf32>
    %get3A_13 = arith.constant 2 : index
    %get3A_14 = arith.constant 0 : index
    %get3A_15 = arith.constant 0 : index
    %get3A_16 = arith.constant 0 : index
    %get3A_17 = vector.load %arg21[%get3A_13, %get3A_14, %get3A_15, %get3A_16] : memref<6x3x64x1xf32, #tpu.memory_space<vmem>>, vector<1x3x64x1xf32>
    %get3A_18 = vector.shape_cast %get3A_17 : vector<1x3x64x1xf32> to vector<3x64x1xf32>
    %get3A_19 = arith.constant 3 : index
    %get3A_20 = arith.constant 0 : index
    %get3A_21 = arith.constant 0 : index
    %get3A_22 = arith.constant 0 : index
    %get3A_23 = vector.load %arg21[%get3A_19, %get3A_20, %get3A_21, %get3A_22] : memref<6x3x64x1xf32, #tpu.memory_space<vmem>>, vector<1x3x64x1xf32>
    %get3A_24 = vector.shape_cast %get3A_23 : vector<1x3x64x1xf32> to vector<3x64x1xf32>
    %get3A_25 = arith.constant 4 : index
    %get3A_26 = arith.constant 0 : index
    %get3A_27 = arith.constant 0 : index
    %get3A_28 = arith.constant 0 : index
    %get3A_29 = vector.load %arg21[%get3A_25, %get3A_26, %get3A_27, %get3A_28] : memref<6x3x64x1xf32, #tpu.memory_space<vmem>>, vector<1x3x64x1xf32>
    %get3A_30 = vector.shape_cast %get3A_29 : vector<1x3x64x1xf32> to vector<3x64x1xf32>
    %get3A_31 = arith.constant 5 : index
    %get3A_32 = arith.constant 0 : index
    %get3A_33 = arith.constant 0 : index
    %get3A_34 = arith.constant 0 : index
    %get3A_35 = vector.load %arg21[%get3A_31, %get3A_32, %get3A_33, %get3A_34] : memref<6x3x64x1xf32, #tpu.memory_space<vmem>>, vector<1x3x64x1xf32>
    %get3A_36 = vector.shape_cast %get3A_35 : vector<1x3x64x1xf32> to vector<3x64x1xf32>
    %get3A_37 = arith.constant 0 : index
    %get3A_38 = arith.constant 0 : index
    %get3A_39 = vector.load %arg1[%get3A_37, %get3A_38] : memref<64x4096xf32, #tpu.memory_space<vmem>>, vector<64x4096xf32>
    %iota3A = tpu.iota {dimensions = array<i32: 0>} : vector<128x4096xi32>
    %convert_element_type3A_40 = arith.sitofp %iota3A : vector<128x4096xi32> to vector<128x4096xf32>
    %get3A_41 = arith.constant 0 : index
    %get3A_42 = arith.constant 0 : index
    %get3A_43 = arith.constant 0 : index
    %get3A_44 = vector.load %arg2[%get3A_41, %get3A_42, %get3A_43] : memref<3x64x64xf32, #tpu.memory_space<vmem>>, vector<1x64x64xf32>
    %get3A_45 = vector.shape_cast %get3A_44 : vector<1x64x64xf32> to vector<64x64xf32>
    %dot_general3A = arith.constant dense<0.000000e+00> : vector<64x4096xf32>
    %dot_general3A_46 = tpu.matmul %get3A_45, %get3A_39, %dot_general3A {dimension_numbers = #tpu.dot_dimension_numbers<[1], [0], [0], [1], [0, 0, 1, 1], [], []>, transpose_lhs_hint = false} : vector<64x64xf32>, vector<64x4096xf32>, vector<64x4096xf32> -> vector<64x4096xf32>
    %slice3A = vector.extract_strided_slice %get3A_6 {offsets = [0, 0, 0], sizes = [1, 64, 1], strides = [1, 1, 1]} : vector<3x64x1xf32> to vector<1x64x1xf32>
    %squeeze3A = vector.shape_cast %slice3A : vector<1x64x1xf32> to vector<64x1xf32>
    %add3A = vector.broadcast %squeeze3A : vector<64x1xf32> to vector<64x4096xf32>
    %add3A_47 = arith.addf %dot_general3A_46, %add3A : vector<64x4096xf32>
    %get3A_48 = arith.constant 0 : index
    %get3A_49 = arith.constant 0 : index
    %get3A_50 = arith.constant 0 : index
    %get3A_51 = vector.load %arg4[%get3A_48, %get3A_49, %get3A_50] : memref<3x64x64xf32, #tpu.memory_space<vmem>>, vector<1x64x64xf32>
    %get3A_52 = vector.shape_cast %get3A_51 : vector<1x64x64xf32> to vector<64x64xf32>
    %dot_general3A_53 = arith.constant dense<0.000000e+00> : vector<64x4096xf32>
    %dot_general3A_54 = tpu.matmul %get3A_52, %add3A_47, %dot_general3A_53 {dimension_numbers = #tpu.dot_dimension_numbers<[1], [0], [0], [1], [0, 0, 1, 1], [], []>, transpose_lhs_hint = false} : vector<64x64xf32>, vector<64x4096xf32>, vector<64x4096xf32> -> vector<64x4096xf32>
    %slice3A_55 = vector.extract_strided_slice %get3A_12 {offsets = [0, 0, 0], sizes = [1, 64, 1], strides = [1, 1, 1]} : vector<3x64x1xf32> to vector<1x64x1xf32>
    %squeeze3A_56 = vector.shape_cast %slice3A_55 : vector<1x64x1xf32> to vector<64x1xf32>
    %add3A_57 = vector.broadcast %squeeze3A_56 : vector<64x1xf32> to vector<64x4096xf32>
    %add3A_58 = arith.addf %dot_general3A_54, %add3A_57 : vector<64x4096xf32>
    %get3A_59 = arith.constant 0 : index
    %get3A_60 = arith.constant 0 : index
    %get3A_61 = arith.constant 0 : index
    %get3A_62 = vector.load %arg18[%get3A_59, %get3A_60, %get3A_61] : memref<3x64x512xf32, #tpu.memory_space<vmem>>, vector<1x64x512xf32>
    %get3A_63 = vector.shape_cast %get3A_62 : vector<1x64x512xf32> to vector<64x512xf32>
    %dot_general3A_64 = arith.constant dense<0.000000e+00> : vector<512x4096xf32>
    %dot_general3A_65 = tpu.matmul %get3A_63, %add3A_58, %dot_general3A_64 {dimension_numbers = #tpu.dot_dimension_numbers<[0], [0], [1], [1], [0, 1, 1, 1], [], []>, transpose_lhs_hint = false} : vector<64x512xf32>, vector<64x4096xf32>, vector<512x4096xf32> -> vector<512x4096xf32>
    %get3A_66 = arith.constant 0 : index
    %get3A_67 = arith.constant 0 : index
    %get3A_68 = arith.constant 0 : index
    %get3A_69 = vector.load %arg6[%get3A_66, %get3A_67, %get3A_68] : memref<3x64x64xf32, #tpu.memory_space<vmem>>, vector<1x64x64xf32>
    %get3A_70 = vector.shape_cast %get3A_69 : vector<1x64x64xf32> to vector<64x64xf32>
    %dot_general3A_71 = arith.constant dense<0.000000e+00> : vector<64x4096xf32>
    %dot_general3A_72 = tpu.matmul %get3A_70, %add3A_47, %dot_general3A_71 {dimension_numbers = #tpu.dot_dimension_numbers<[1], [0], [0], [1], [0, 0, 1, 1], [], []>, transpose_lhs_hint = false} : vector<64x64xf32>, vector<64x4096xf32>, vector<64x4096xf32> -> vector<64x4096xf32>
    %slice3A_73 = vector.extract_strided_slice %get3A_18 {offsets = [0, 0, 0], sizes = [1, 64, 1], strides = [1, 1, 1]} : vector<3x64x1xf32> to vector<1x64x1xf32>
    %squeeze3A_74 = vector.shape_cast %slice3A_73 : vector<1x64x1xf32> to vector<64x1xf32>
    %add3A_75 = vector.broadcast %squeeze3A_74 : vector<64x1xf32> to vector<64x4096xf32>
    %add3A_76 = arith.addf %dot_general3A_72, %add3A_75 : vector<64x4096xf32>
    %get3A_77 = arith.constant 1 : index
    %get3A_78 = arith.constant 0 : index
    %get3A_79 = arith.constant 0 : index
    %get3A_80 = vector.load %arg2[%get3A_77, %get3A_78, %get3A_79] : memref<3x64x64xf32, #tpu.memory_space<vmem>>, vector<1x64x64xf32>
    %get3A_81 = vector.shape_cast %get3A_80 : vector<1x64x64xf32> to vector<64x64xf32>
    %dot_general3A_82 = arith.constant dense<0.000000e+00> : vector<64x4096xf32>
    %dot_general3A_83 = tpu.matmul %get3A_81, %add3A_76, %dot_general3A_82 {dimension_numbers = #tpu.dot_dimension_numbers<[1], [0], [0], [1], [0, 0, 1, 1], [], []>, transpose_lhs_hint = false} : vector<64x64xf32>, vector<64x4096xf32>, vector<64x4096xf32> -> vector<64x4096xf32>
    %slice3A_84 = vector.extract_strided_slice %get3A_6 {offsets = [1, 0, 0], sizes = [1, 64, 1], strides = [1, 1, 1]} : vector<3x64x1xf32> to vector<1x64x1xf32>
    %squeeze3A_85 = vector.shape_cast %slice3A_84 : vector<1x64x1xf32> to vector<64x1xf32>
    %add3A_86 = vector.broadcast %squeeze3A_85 : vector<64x1xf32> to vector<64x4096xf32>
    %add3A_87 = arith.addf %dot_general3A_83, %add3A_86 : vector<64x4096xf32>
    %get3A_88 = arith.constant 1 : index
    %get3A_89 = arith.constant 0 : index
    %get3A_90 = arith.constant 0 : index
    %get3A_91 = vector.load %arg4[%get3A_88, %get3A_89, %get3A_90] : memref<3x64x64xf32, #tpu.memory_space<vmem>>, vector<1x64x64xf32>
    %get3A_92 = vector.shape_cast %get3A_91 : vector<1x64x64xf32> to vector<64x64xf32>
    %dot_general3A_93 = arith.constant dense<0.000000e+00> : vector<64x4096xf32>
    %dot_general3A_94 = tpu.matmul %get3A_92, %add3A_87, %dot_general3A_93 {dimension_numbers = #tpu.dot_dimension_numbers<[1], [0], [0], [1], [0, 0, 1, 1], [], []>, transpose_lhs_hint = false} : vector<64x64xf32>, vector<64x4096xf32>, vector<64x4096xf32> -> vector<64x4096xf32>
    %slice3A_95 = vector.extract_strided_slice %get3A_12 {offsets = [1, 0, 0], sizes = [1, 64, 1], strides = [1, 1, 1]} : vector<3x64x1xf32> to vector<1x64x1xf32>
    %squeeze3A_96 = vector.shape_cast %slice3A_95 : vector<1x64x1xf32> to vector<64x1xf32>
    %add3A_97 = vector.broadcast %squeeze3A_96 : vector<64x1xf32> to vector<64x4096xf32>
    %add3A_98 = arith.addf %dot_general3A_94, %add3A_97 : vector<64x4096xf32>
    %get3A_99 = arith.constant 1 : index
    %get3A_100 = arith.constant 0 : index
    %get3A_101 = arith.constant 0 : index
    %get3A_102 = vector.load %arg18[%get3A_99, %get3A_100, %get3A_101] : memref<3x64x512xf32, #tpu.memory_space<vmem>>, vector<1x64x512xf32>
    %get3A_103 = vector.shape_cast %get3A_102 : vector<1x64x512xf32> to vector<64x512xf32>
    %dot_general3A_104 = arith.constant dense<0.000000e+00> : vector<512x4096xf32>
    %dot_general3A_105 = tpu.matmul %get3A_103, %add3A_98, %dot_general3A_104 {dimension_numbers = #tpu.dot_dimension_numbers<[0], [0], [1], [1], [0, 1, 1, 1], [], []>, transpose_lhs_hint = false} : vector<64x512xf32>, vector<64x4096xf32>, vector<512x4096xf32> -> vector<512x4096xf32>
    %get3A_106 = arith.constant 1 : index
    %get3A_107 = arith.constant 0 : index
    %get3A_108 = arith.constant 0 : index
    %get3A_109 = vector.load %arg6[%get3A_106, %get3A_107, %get3A_108] : memref<3x64x64xf32, #tpu.memory_space<vmem>>, vector<1x64x64xf32>
    %get3A_110 = vector.shape_cast %get3A_109 : vector<1x64x64xf32> to vector<64x64xf32>
    %dot_general3A_111 = arith.constant dense<0.000000e+00> : vector<64x4096xf32>
    %dot_general3A_112 = tpu.matmul %get3A_110, %add3A_87, %dot_general3A_111 {dimension_numbers = #tpu.dot_dimension_numbers<[1], [0], [0], [1], [0, 0, 1, 1], [], []>, transpose_lhs_hint = false} : vector<64x64xf32>, vector<64x4096xf32>, vector<64x4096xf32> -> vector<64x4096xf32>
    %slice3A_113 = vector.extract_strided_slice %get3A_18 {offsets = [1, 0, 0], sizes = [1, 64, 1], strides = [1, 1, 1]} : vector<3x64x1xf32> to vector<1x64x1xf32>
    %squeeze3A_114 = vector.shape_cast %slice3A_113 : vector<1x64x1xf32> to vector<64x1xf32>
    %add3A_115 = vector.broadcast %squeeze3A_114 : vector<64x1xf32> to vector<64x4096xf32>
    %add3A_116 = arith.addf %dot_general3A_112, %add3A_115 : vector<64x4096xf32>
    %get3A_117 = arith.constant 2 : index
    %get3A_118 = arith.constant 0 : index
    %get3A_119 = arith.constant 0 : index
    %get3A_120 = vector.load %arg2[%get3A_117, %get3A_118, %get3A_119] : memref<3x64x64xf32, #tpu.memory_space<vmem>>, vector<1x64x64xf32>
    %get3A_121 = vector.shape_cast %get3A_120 : vector<1x64x64xf32> to vector<64x64xf32>
    %dot_general3A_122 = arith.constant dense<0.000000e+00> : vector<64x4096xf32>
    %dot_general3A_123 = tpu.matmul %get3A_121, %add3A_116, %dot_general3A_122 {dimension_numbers = #tpu.dot_dimension_numbers<[1], [0], [0], [1], [0, 0, 1, 1], [], []>, transpose_lhs_hint = false} : vector<64x64xf32>, vector<64x4096xf32>, vector<64x4096xf32> -> vector<64x4096xf32>
    %slice3A_124 = vector.extract_strided_slice %get3A_6 {offsets = [2, 0, 0], sizes = [1, 64, 1], strides = [1, 1, 1]} : vector<3x64x1xf32> to vector<1x64x1xf32>
    %squeeze3A_125 = vector.shape_cast %slice3A_124 : vector<1x64x1xf32> to vector<64x1xf32>
    %add3A_126 = vector.broadcast %squeeze3A_125 : vector<64x1xf32> to vector<64x4096xf32>
    %add3A_127 = arith.addf %dot_general3A_123, %add3A_126 : vector<64x4096xf32>
    %get3A_128 = arith.constant 2 : index
    %get3A_129 = arith.constant 0 : index
    %get3A_130 = arith.constant 0 : index
    %get3A_131 = vector.load %arg4[%get3A_128, %get3A_129, %get3A_130] : memref<3x64x64xf32, #tpu.memory_space<vmem>>, vector<1x64x64xf32>
    %get3A_132 = vector.shape_cast %get3A_131 : vector<1x64x64xf32> to vector<64x64xf32>
    %dot_general3A_133 = arith.constant dense<0.000000e+00> : vector<64x4096xf32>
    %dot_general3A_134 = tpu.matmul %get3A_132, %add3A_127, %dot_general3A_133 {dimension_numbers = #tpu.dot_dimension_numbers<[1], [0], [0], [1], [0, 0, 1, 1], [], []>, transpose_lhs_hint = false} : vector<64x64xf32>, vector<64x4096xf32>, vector<64x4096xf32> -> vector<64x4096xf32>
    %slice3A_135 = vector.extract_strided_slice %get3A_12 {offsets = [2, 0, 0], sizes = [1, 64, 1], strides = [1, 1, 1]} : vector<3x64x1xf32> to vector<1x64x1xf32>
    %squeeze3A_136 = vector.shape_cast %slice3A_135 : vector<1x64x1xf32> to vector<64x1xf32>
    %add3A_137 = vector.broadcast %squeeze3A_136 : vector<64x1xf32> to vector<64x4096xf32>
    %add3A_138 = arith.addf %dot_general3A_134, %add3A_137 : vector<64x4096xf32>
    %get3A_139 = arith.constant 2 : index
    %get3A_140 = arith.constant 0 : index
    %get3A_141 = arith.constant 0 : index
    %get3A_142 = vector.load %arg18[%get3A_139, %get3A_140, %get3A_141] : memref<3x64x512xf32, #tpu.memory_space<vmem>>, vector<1x64x512xf32>
    %get3A_143 = vector.shape_cast %get3A_142 : vector<1x64x512xf32> to vector<64x512xf32>
    %dot_general3A_144 = arith.constant dense<0.000000e+00> : vector<512x4096xf32>
    %dot_general3A_145 = tpu.matmul %get3A_143, %add3A_138, %dot_general3A_144 {dimension_numbers = #tpu.dot_dimension_numbers<[0], [0], [1], [1], [0, 1, 1, 1], [], []>, transpose_lhs_hint = false} : vector<64x512xf32>, vector<64x4096xf32>, vector<512x4096xf32> -> vector<512x4096xf32>
    %slice3A_146 = vector.extract_strided_slice %dot_general3A_65 {offsets = [0, 0], sizes = [128, 4096], strides = [1, 1]} : vector<512x4096xf32> to vector<128x4096xf32>
    %get3A_147 = arith.constant 0 : index
    %get3A_148 = arith.constant 0 : index
    %get3A_149 = arith.constant 0 : index
    %get3A_150 = vector.load %arg20[%get3A_147, %get3A_148, %get3A_149] : memref<3x512x1xf32, #tpu.memory_space<vmem>>, vector<1x512x1xf32>
    %get3A_151 = vector.shape_cast %get3A_150 : vector<1x512x1xf32> to vector<512x1xf32>
    %slice3A_152 = vector.extract_strided_slice %get3A_151 {offsets = [0, 0], sizes = [128, 1], strides = [1, 1]} : vector<512x1xf32> to vector<128x1xf32>
    %add3A_153 = vector.broadcast %slice3A_152 : vector<128x1xf32> to vector<128x4096xf32>
    %add3A_154 = arith.addf %slice3A_146, %add3A_153 : vector<128x4096xf32>
    %slice3A_155 = vector.extract_strided_slice %dot_general3A_65 {offsets = [128, 0], sizes = [128, 4096], strides = [1, 1]} : vector<512x4096xf32> to vector<128x4096xf32>
    %get3A_156 = arith.constant 0 : index
    %get3A_157 = arith.constant 0 : index
    %get3A_158 = arith.constant 0 : index
    %get3A_159 = vector.load %arg20[%get3A_156, %get3A_157, %get3A_158] : memref<3x512x1xf32, #tpu.memory_space<vmem>>, vector<1x512x1xf32>
    %get3A_160 = vector.shape_cast %get3A_159 : vector<1x512x1xf32> to vector<512x1xf32>
    %slice3A_161 = vector.extract_strided_slice %get3A_160 {offsets = [128, 0], sizes = [128, 1], strides = [1, 1]} : vector<512x1xf32> to vector<128x1xf32>
    %add3A_162 = vector.broadcast %slice3A_161 : vector<128x1xf32> to vector<128x4096xf32>
    %add3A_163 = arith.addf %slice3A_155, %add3A_162 : vector<128x4096xf32>
    %slice3A_164 = vector.extract_strided_slice %dot_general3A_65 {offsets = [256, 0], sizes = [128, 4096], strides = [1, 1]} : vector<512x4096xf32> to vector<128x4096xf32>
    %get3A_165 = arith.constant 0 : index
    %get3A_166 = arith.constant 0 : index
    %get3A_167 = arith.constant 0 : index
    %get3A_168 = vector.load %arg20[%get3A_165, %get3A_166, %get3A_167] : memref<3x512x1xf32, #tpu.memory_space<vmem>>, vector<1x512x1xf32>
    %get3A_169 = vector.shape_cast %get3A_168 : vector<1x512x1xf32> to vector<512x1xf32>
    %slice3A_170 = vector.extract_strided_slice %get3A_169 {offsets = [256, 0], sizes = [128, 1], strides = [1, 1]} : vector<512x1xf32> to vector<128x1xf32>
    %add3A_171 = vector.broadcast %slice3A_170 : vector<128x1xf32> to vector<128x4096xf32>
    %add3A_172 = arith.addf %slice3A_164, %add3A_171 : vector<128x4096xf32>
    %slice3A_173 = vector.extract_strided_slice %dot_general3A_65 {offsets = [384, 0], sizes = [128, 4096], strides = [1, 1]} : vector<512x4096xf32> to vector<128x4096xf32>
    %get3A_174 = arith.constant 0 : index
    %get3A_175 = arith.constant 0 : index
    %get3A_176 = arith.constant 0 : index
    %get3A_177 = vector.load %arg20[%get3A_174, %get3A_175, %get3A_176] : memref<3x512x1xf32, #tpu.memory_space<vmem>>, vector<1x512x1xf32>
    %get3A_178 = vector.shape_cast %get3A_177 : vector<1x512x1xf32> to vector<512x1xf32>
    %slice3A_179 = vector.extract_strided_slice %get3A_178 {offsets = [384, 0], sizes = [128, 1], strides = [1, 1]} : vector<512x1xf32> to vector<128x1xf32>
    %add3A_180 = vector.broadcast %slice3A_179 : vector<128x1xf32> to vector<128x4096xf32>
    %add3A_181 = arith.addf %slice3A_173, %add3A_180 : vector<128x4096xf32>
    %slice3A_182 = vector.extract_strided_slice %dot_general3A_105 {offsets = [0, 0], sizes = [128, 4096], strides = [1, 1]} : vector<512x4096xf32> to vector<128x4096xf32>
    %get3A_183 = arith.constant 1 : index
    %get3A_184 = arith.constant 0 : index
    %get3A_185 = arith.constant 0 : index
    %get3A_186 = vector.load %arg20[%get3A_183, %get3A_184, %get3A_185] : memref<3x512x1xf32, #tpu.memory_space<vmem>>, vector<1x512x1xf32>
    %get3A_187 = vector.shape_cast %get3A_186 : vector<1x512x1xf32> to vector<512x1xf32>
    %slice3A_188 = vector.extract_strided_slice %get3A_187 {offsets = [0, 0], sizes = [128, 1], strides = [1, 1]} : vector<512x1xf32> to vector<128x1xf32>
    %add3A_189 = vector.broadcast %slice3A_188 : vector<128x1xf32> to vector<128x4096xf32>
    %add3A_190 = arith.addf %slice3A_182, %add3A_189 : vector<128x4096xf32>
    %slice3A_191 = vector.extract_strided_slice %dot_general3A_105 {offsets = [128, 0], sizes = [128, 4096], strides = [1, 1]} : vector<512x4096xf32> to vector<128x4096xf32>
    %get3A_192 = arith.constant 1 : index
    %get3A_193 = arith.constant 0 : index
    %get3A_194 = arith.constant 0 : index
    %get3A_195 = vector.load %arg20[%get3A_192, %get3A_193, %get3A_194] : memref<3x512x1xf32, #tpu.memory_space<vmem>>, vector<1x512x1xf32>
    %get3A_196 = vector.shape_cast %get3A_195 : vector<1x512x1xf32> to vector<512x1xf32>
    %slice3A_197 = vector.extract_strided_slice %get3A_196 {offsets = [128, 0], sizes = [128, 1], strides = [1, 1]} : vector<512x1xf32> to vector<128x1xf32>
    %add3A_198 = vector.broadcast %slice3A_197 : vector<128x1xf32> to vector<128x4096xf32>
    %add3A_199 = arith.addf %slice3A_191, %add3A_198 : vector<128x4096xf32>
    %slice3A_200 = vector.extract_strided_slice %dot_general3A_105 {offsets = [256, 0], sizes = [128, 4096], strides = [1, 1]} : vector<512x4096xf32> to vector<128x4096xf32>
    %get3A_201 = arith.constant 1 : index
    %get3A_202 = arith.constant 0 : index
    %get3A_203 = arith.constant 0 : index
    %get3A_204 = vector.load %arg20[%get3A_201, %get3A_202, %get3A_203] : memref<3x512x1xf32, #tpu.memory_space<vmem>>, vector<1x512x1xf32>
    %get3A_205 = vector.shape_cast %get3A_204 : vector<1x512x1xf32> to vector<512x1xf32>
    %slice3A_206 = vector.extract_strided_slice %get3A_205 {offsets = [256, 0], sizes = [128, 1], strides = [1, 1]} : vector<512x1xf32> to vector<128x1xf32>
    %add3A_207 = vector.broadcast %slice3A_206 : vector<128x1xf32> to vector<128x4096xf32>
    %add3A_208 = arith.addf %slice3A_200, %add3A_207 : vector<128x4096xf32>
    %slice3A_209 = vector.extract_strided_slice %dot_general3A_105 {offsets = [384, 0], sizes = [128, 4096], strides = [1, 1]} : vector<512x4096xf32> to vector<128x4096xf32>
    %get3A_210 = arith.constant 1 : index
    %get3A_211 = arith.constant 0 : index
    %get3A_212 = arith.constant 0 : index
    %get3A_213 = vector.load %arg20[%get3A_210, %get3A_211, %get3A_212] : memref<3x512x1xf32, #tpu.memory_space<vmem>>, vector<1x512x1xf32>
    %get3A_214 = vector.shape_cast %get3A_213 : vector<1x512x1xf32> to vector<512x1xf32>
    %slice3A_215 = vector.extract_strided_slice %get3A_214 {offsets = [384, 0], sizes = [128, 1], strides = [1, 1]} : vector<512x1xf32> to vector<128x1xf32>
    %add3A_216 = vector.broadcast %slice3A_215 : vector<128x1xf32> to vector<128x4096xf32>
    %add3A_217 = arith.addf %slice3A_209, %add3A_216 : vector<128x4096xf32>
    %slice3A_218 = vector.extract_strided_slice %dot_general3A_145 {offsets = [0, 0], sizes = [128, 4096], strides = [1, 1]} : vector<512x4096xf32> to vector<128x4096xf32>
    %get3A_219 = arith.constant 2 : index
    %get3A_220 = arith.constant 0 : index
    %get3A_221 = arith.constant 0 : index
    %get3A_222 = vector.load %arg20[%get3A_219, %get3A_220, %get3A_221] : memref<3x512x1xf32, #tpu.memory_space<vmem>>, vector<1x512x1xf32>
    %get3A_223 = vector.shape_cast %get3A_222 : vector<1x512x1xf32> to vector<512x1xf32>
    %slice3A_224 = vector.extract_strided_slice %get3A_223 {offsets = [0, 0], sizes = [128, 1], strides = [1, 1]} : vector<512x1xf32> to vector<128x1xf32>
    %add3A_225 = vector.broadcast %slice3A_224 : vector<128x1xf32> to vector<128x4096xf32>
    %add3A_226 = arith.addf %slice3A_218, %add3A_225 : vector<128x4096xf32>
    %slice3A_227 = vector.extract_strided_slice %dot_general3A_145 {offsets = [128, 0], sizes = [128, 4096], strides = [1, 1]} : vector<512x4096xf32> to vector<128x4096xf32>
    %get3A_228 = arith.constant 2 : index
    %get3A_229 = arith.constant 0 : index
    %get3A_230 = arith.constant 0 : index
    %get3A_231 = vector.load %arg20[%get3A_228, %get3A_229, %get3A_230] : memref<3x512x1xf32, #tpu.memory_space<vmem>>, vector<1x512x1xf32>
    %get3A_232 = vector.shape_cast %get3A_231 : vector<1x512x1xf32> to vector<512x1xf32>
    %slice3A_233 = vector.extract_strided_slice %get3A_232 {offsets = [128, 0], sizes = [128, 1], strides = [1, 1]} : vector<512x1xf32> to vector<128x1xf32>
    %add3A_234 = vector.broadcast %slice3A_233 : vector<128x1xf32> to vector<128x4096xf32>
    %add3A_235 = arith.addf %slice3A_227, %add3A_234 : vector<128x4096xf32>
    %slice3A_236 = vector.extract_strided_slice %dot_general3A_145 {offsets = [256, 0], sizes = [128, 4096], strides = [1, 1]} : vector<512x4096xf32> to vector<128x4096xf32>
    %get3A_237 = arith.constant 2 : index
    %get3A_238 = arith.constant 0 : index
    %get3A_239 = arith.constant 0 : index
    %get3A_240 = vector.load %arg20[%get3A_237, %get3A_238, %get3A_239] : memref<3x512x1xf32, #tpu.memory_space<vmem>>, vector<1x512x1xf32>
    %get3A_241 = vector.shape_cast %get3A_240 : vector<1x512x1xf32> to vector<512x1xf32>
    %slice3A_242 = vector.extract_strided_slice %get3A_241 {offsets = [256, 0], sizes = [128, 1], strides = [1, 1]} : vector<512x1xf32> to vector<128x1xf32>
    %add3A_243 = vector.broadcast %slice3A_242 : vector<128x1xf32> to vector<128x4096xf32>
    %add3A_244 = arith.addf %slice3A_236, %add3A_243 : vector<128x4096xf32>
    %slice3A_245 = vector.extract_strided_slice %dot_general3A_145 {offsets = [384, 0], sizes = [128, 4096], strides = [1, 1]} : vector<512x4096xf32> to vector<128x4096xf32>
    %get3A_246 = arith.constant 2 : index
    %get3A_247 = arith.constant 0 : index
    %get3A_248 = arith.constant 0 : index
    %get3A_249 = vector.load %arg20[%get3A_246, %get3A_247, %get3A_248] : memref<3x512x1xf32, #tpu.memory_space<vmem>>, vector<1x512x1xf32>
    %get3A_250 = vector.shape_cast %get3A_249 : vector<1x512x1xf32> to vector<512x1xf32>
    %slice3A_251 = vector.extract_strided_slice %get3A_250 {offsets = [384, 0], sizes = [128, 1], strides = [1, 1]} : vector<512x1xf32> to vector<128x1xf32>
    %add3A_252 = vector.broadcast %slice3A_251 : vector<128x1xf32> to vector<128x4096xf32>
    %add3A_253 = arith.addf %slice3A_245, %add3A_252 : vector<128x4096xf32>
    %reduce_min3A = arith.constant dense<0x7F800000> : vector<4096xf32>
    %reduce_min3A_254 = vector.multi_reduction <minimumf>, %add3A_154, %reduce_min3A [0] : vector<128x4096xf32> to vector<4096xf32>
    %broadcast_in_dim3A = vector.shape_cast %reduce_min3A_254 : vector<4096xf32> to vector<1x4096xf32>
    %reduce_min3A_255 = arith.constant dense<0x7F800000> : vector<4096xf32>
    %reduce_min3A_256 = vector.multi_reduction <minimumf>, %add3A_163, %reduce_min3A_255 [0] : vector<128x4096xf32> to vector<4096xf32>
    %broadcast_in_dim3A_257 = vector.shape_cast %reduce_min3A_256 : vector<4096xf32> to vector<1x4096xf32>
    %reduce_min3A_258 = arith.constant dense<0x7F800000> : vector<4096xf32>
    %reduce_min3A_259 = vector.multi_reduction <minimumf>, %add3A_172, %reduce_min3A_258 [0] : vector<128x4096xf32> to vector<4096xf32>
    %broadcast_in_dim3A_260 = vector.shape_cast %reduce_min3A_259 : vector<4096xf32> to vector<1x4096xf32>
    %reduce_min3A_261 = arith.constant dense<0x7F800000> : vector<4096xf32>
    %reduce_min3A_262 = vector.multi_reduction <minimumf>, %add3A_181, %reduce_min3A_261 [0] : vector<128x4096xf32> to vector<4096xf32>
    %broadcast_in_dim3A_263 = vector.shape_cast %reduce_min3A_262 : vector<4096xf32> to vector<1x4096xf32>
    %reduce_min3A_264 = arith.constant dense<0x7F800000> : vector<4096xf32>
    %reduce_min3A_265 = vector.multi_reduction <minimumf>, %add3A_190, %reduce_min3A_264 [0] : vector<128x4096xf32> to vector<4096xf32>
    %broadcast_in_dim3A_266 = vector.shape_cast %reduce_min3A_265 : vector<4096xf32> to vector<1x4096xf32>
    %reduce_min3A_267 = arith.constant dense<0x7F800000> : vector<4096xf32>
    %reduce_min3A_268 = vector.multi_reduction <minimumf>, %add3A_199, %reduce_min3A_267 [0] : vector<128x4096xf32> to vector<4096xf32>
    %broadcast_in_dim3A_269 = vector.shape_cast %reduce_min3A_268 : vector<4096xf32> to vector<1x4096xf32>
    %reduce_min3A_270 = arith.constant dense<0x7F800000> : vector<4096xf32>
    %reduce_min3A_271 = vector.multi_reduction <minimumf>, %add3A_208, %reduce_min3A_270 [0] : vector<128x4096xf32> to vector<4096xf32>
    %broadcast_in_dim3A_272 = vector.shape_cast %reduce_min3A_271 : vector<4096xf32> to vector<1x4096xf32>
    %reduce_min3A_273 = arith.constant dense<0x7F800000> : vector<4096xf32>
    %reduce_min3A_274 = vector.multi_reduction <minimumf>, %add3A_217, %reduce_min3A_273 [0] : vector<128x4096xf32> to vector<4096xf32>
    %broadcast_in_dim3A_275 = vector.shape_cast %reduce_min3A_274 : vector<4096xf32> to vector<1x4096xf32>
    %reduce_min3A_276 = arith.constant dense<0x7F800000> : vector<4096xf32>
    %reduce_min3A_277 = vector.multi_reduction <minimumf>, %add3A_226, %reduce_min3A_276 [0] : vector<128x4096xf32> to vector<4096xf32>
    %broadcast_in_dim3A_278 = vector.shape_cast %reduce_min3A_277 : vector<4096xf32> to vector<1x4096xf32>
    %reduce_min3A_279 = arith.constant dense<0x7F800000> : vector<4096xf32>
    %reduce_min3A_280 = vector.multi_reduction <minimumf>, %add3A_235, %reduce_min3A_279 [0] : vector<128x4096xf32> to vector<4096xf32>
    %broadcast_in_dim3A_281 = vector.shape_cast %reduce_min3A_280 : vector<4096xf32> to vector<1x4096xf32>
    %reduce_min3A_282 = arith.constant dense<0x7F800000> : vector<4096xf32>
    %reduce_min3A_283 = vector.multi_reduction <minimumf>, %add3A_244, %reduce_min3A_282 [0] : vector<128x4096xf32> to vector<4096xf32>
    %broadcast_in_dim3A_284 = vector.shape_cast %reduce_min3A_283 : vector<4096xf32> to vector<1x4096xf32>
    %reduce_min3A_285 = arith.constant dense<0x7F800000> : vector<4096xf32>
    %reduce_min3A_286 = vector.multi_reduction <minimumf>, %add3A_253, %reduce_min3A_285 [0] : vector<128x4096xf32> to vector<4096xf32>
    %broadcast_in_dim3A_287 = vector.shape_cast %reduce_min3A_286 : vector<4096xf32> to vector<1x4096xf32>
    %eq3A_288 = vector.broadcast %broadcast_in_dim3A : vector<1x4096xf32> to vector<128x4096xf32>
    %eq3A_289 = arith.cmpf oeq, %add3A_154, %eq3A_288 : vector<128x4096xf32>
    %jit3A = arith.constant 1.280000e+02 : f32
    %broadcast_in_dim3A_290 = vector.broadcast %jit3A : f32 to vector<128x4096xf32>
    %select_n3A = arith.select %eq3A_289, %convert_element_type3A_40, %broadcast_in_dim3A_290 : vector<128x4096xi1>, vector<128x4096xf32>
    %eq3A_291 = vector.broadcast %broadcast_in_dim3A_257 : vector<1x4096xf32> to vector<128x4096xf32>
    %eq3A_292 = arith.cmpf oeq, %add3A_163, %eq3A_291 : vector<128x4096xf32>
    %jit3A_293 = arith.constant 1.280000e+02 : f32
    %broadcast_in_dim3A_294 = vector.broadcast %jit3A_293 : f32 to vector<128x4096xf32>
    %select_n3A_295 = arith.select %eq3A_292, %convert_element_type3A_40, %broadcast_in_dim3A_294 : vector<128x4096xi1>, vector<128x4096xf32>
    %eq3A_296 = vector.broadcast %broadcast_in_dim3A_260 : vector<1x4096xf32> to vector<128x4096xf32>
    %eq3A_297 = arith.cmpf oeq, %add3A_172, %eq3A_296 : vector<128x4096xf32>
    %jit3A_298 = arith.constant 1.280000e+02 : f32
    %broadcast_in_dim3A_299 = vector.broadcast %jit3A_298 : f32 to vector<128x4096xf32>
    %select_n3A_300 = arith.select %eq3A_297, %convert_element_type3A_40, %broadcast_in_dim3A_299 : vector<128x4096xi1>, vector<128x4096xf32>
    %eq3A_301 = vector.broadcast %broadcast_in_dim3A_263 : vector<1x4096xf32> to vector<128x4096xf32>
    %eq3A_302 = arith.cmpf oeq, %add3A_181, %eq3A_301 : vector<128x4096xf32>
    %jit3A_303 = arith.constant 1.280000e+02 : f32
    %broadcast_in_dim3A_304 = vector.broadcast %jit3A_303 : f32 to vector<128x4096xf32>
    %select_n3A_305 = arith.select %eq3A_302, %convert_element_type3A_40, %broadcast_in_dim3A_304 : vector<128x4096xi1>, vector<128x4096xf32>
    %eq3A_306 = vector.broadcast %broadcast_in_dim3A_266 : vector<1x4096xf32> to vector<128x4096xf32>
    %eq3A_307 = arith.cmpf oeq, %add3A_190, %eq3A_306 : vector<128x4096xf32>
    %jit3A_308 = arith.constant 1.280000e+02 : f32
    %broadcast_in_dim3A_309 = vector.broadcast %jit3A_308 : f32 to vector<128x4096xf32>
    %select_n3A_310 = arith.select %eq3A_307, %convert_element_type3A_40, %broadcast_in_dim3A_309 : vector<128x4096xi1>, vector<128x4096xf32>
    %eq3A_311 = vector.broadcast %broadcast_in_dim3A_269 : vector<1x4096xf32> to vector<128x4096xf32>
    %eq3A_312 = arith.cmpf oeq, %add3A_199, %eq3A_311 : vector<128x4096xf32>
    %jit3A_313 = arith.constant 1.280000e+02 : f32
    %broadcast_in_dim3A_314 = vector.broadcast %jit3A_313 : f32 to vector<128x4096xf32>
    %select_n3A_315 = arith.select %eq3A_312, %convert_element_type3A_40, %broadcast_in_dim3A_314 : vector<128x4096xi1>, vector<128x4096xf32>
    %eq3A_316 = vector.broadcast %broadcast_in_dim3A_272 : vector<1x4096xf32> to vector<128x4096xf32>
    %eq3A_317 = arith.cmpf oeq, %add3A_208, %eq3A_316 : vector<128x4096xf32>
    %jit3A_318 = arith.constant 1.280000e+02 : f32
    %broadcast_in_dim3A_319 = vector.broadcast %jit3A_318 : f32 to vector<128x4096xf32>
    %select_n3A_320 = arith.select %eq3A_317, %convert_element_type3A_40, %broadcast_in_dim3A_319 : vector<128x4096xi1>, vector<128x4096xf32>
    %eq3A_321 = vector.broadcast %broadcast_in_dim3A_275 : vector<1x4096xf32> to vector<128x4096xf32>
    %eq3A_322 = arith.cmpf oeq, %add3A_217, %eq3A_321 : vector<128x4096xf32>
    %jit3A_323 = arith.constant 1.280000e+02 : f32
    %broadcast_in_dim3A_324 = vector.broadcast %jit3A_323 : f32 to vector<128x4096xf32>
    %select_n3A_325 = arith.select %eq3A_322, %convert_element_type3A_40, %broadcast_in_dim3A_324 : vector<128x4096xi1>, vector<128x4096xf32>
    %eq3A_326 = vector.broadcast %broadcast_in_dim3A_278 : vector<1x4096xf32> to vector<128x4096xf32>
    %eq3A_327 = arith.cmpf oeq, %add3A_226, %eq3A_326 : vector<128x4096xf32>
    %jit3A_328 = arith.constant 1.280000e+02 : f32
    %broadcast_in_dim3A_329 = vector.broadcast %jit3A_328 : f32 to vector<128x4096xf32>
    %select_n3A_330 = arith.select %eq3A_327, %convert_element_type3A_40, %broadcast_in_dim3A_329 : vector<128x4096xi1>, vector<128x4096xf32>
    %eq3A_331 = vector.broadcast %broadcast_in_dim3A_281 : vector<1x4096xf32> to vector<128x4096xf32>
    %eq3A_332 = arith.cmpf oeq, %add3A_235, %eq3A_331 : vector<128x4096xf32>
    %jit3A_333 = arith.constant 1.280000e+02 : f32
    %broadcast_in_dim3A_334 = vector.broadcast %jit3A_333 : f32 to vector<128x4096xf32>
    %select_n3A_335 = arith.select %eq3A_332, %convert_element_type3A_40, %broadcast_in_dim3A_334 : vector<128x4096xi1>, vector<128x4096xf32>
    %eq3A_336 = vector.broadcast %broadcast_in_dim3A_284 : vector<1x4096xf32> to vector<128x4096xf32>
    %eq3A_337 = arith.cmpf oeq, %add3A_244, %eq3A_336 : vector<128x4096xf32>
    %jit3A_338 = arith.constant 1.280000e+02 : f32
    %broadcast_in_dim3A_339 = vector.broadcast %jit3A_338 : f32 to vector<128x4096xf32>
    %select_n3A_340 = arith.select %eq3A_337, %convert_element_type3A_40, %broadcast_in_dim3A_339 : vector<128x4096xi1>, vector<128x4096xf32>
    %eq3A_341 = vector.broadcast %broadcast_in_dim3A_287 : vector<1x4096xf32> to vector<128x4096xf32>
    %eq3A_342 = arith.cmpf oeq, %add3A_253, %eq3A_341 : vector<128x4096xf32>
    %jit3A_343 = arith.constant 1.280000e+02 : f32
    %broadcast_in_dim3A_344 = vector.broadcast %jit3A_343 : f32 to vector<128x4096xf32>
    %select_n3A_345 = arith.select %eq3A_342, %convert_element_type3A_40, %broadcast_in_dim3A_344 : vector<128x4096xi1>, vector<128x4096xf32>
    %reduce_min3A_346 = arith.constant dense<0x7F800000> : vector<4096xf32>
    %reduce_min3A_347 = vector.multi_reduction <minimumf>, %select_n3A, %reduce_min3A_346 [0] : vector<128x4096xf32> to vector<4096xf32>
    %broadcast_in_dim3A_348 = vector.shape_cast %reduce_min3A_347 : vector<4096xf32> to vector<1x4096xf32>
    %reduce_min3A_349 = arith.constant dense<0x7F800000> : vector<4096xf32>
    %reduce_min3A_350 = vector.multi_reduction <minimumf>, %select_n3A_295, %reduce_min3A_349 [0] : vector<128x4096xf32> to vector<4096xf32>
    %broadcast_in_dim3A_351 = vector.shape_cast %reduce_min3A_350 : vector<4096xf32> to vector<1x4096xf32>
    %reduce_min3A_352 = arith.constant dense<0x7F800000> : vector<4096xf32>
    %reduce_min3A_353 = vector.multi_reduction <minimumf>, %select_n3A_300, %reduce_min3A_352 [0] : vector<128x4096xf32> to vector<4096xf32>
    %broadcast_in_dim3A_354 = vector.shape_cast %reduce_min3A_353 : vector<4096xf32> to vector<1x4096xf32>
    %reduce_min3A_355 = arith.constant dense<0x7F800000> : vector<4096xf32>
    %reduce_min3A_356 = vector.multi_reduction <minimumf>, %select_n3A_305, %reduce_min3A_355 [0] : vector<128x4096xf32> to vector<4096xf32>
    %broadcast_in_dim3A_357 = vector.shape_cast %reduce_min3A_356 : vector<4096xf32> to vector<1x4096xf32>
    %reduce_min3A_358 = arith.constant dense<0x7F800000> : vector<4096xf32>
    %reduce_min3A_359 = vector.multi_reduction <minimumf>, %select_n3A_310, %reduce_min3A_358 [0] : vector<128x4096xf32> to vector<4096xf32>
    %broadcast_in_dim3A_360 = vector.shape_cast %reduce_min3A_359 : vector<4096xf32> to vector<1x4096xf32>
    %reduce_min3A_361 = arith.constant dense<0x7F800000> : vector<4096xf32>
    %reduce_min3A_362 = vector.multi_reduction <minimumf>, %select_n3A_315, %reduce_min3A_361 [0] : vector<128x4096xf32> to vector<4096xf32>
    %broadcast_in_dim3A_363 = vector.shape_cast %reduce_min3A_362 : vector<4096xf32> to vector<1x4096xf32>
    %reduce_min3A_364 = arith.constant dense<0x7F800000> : vector<4096xf32>
    %reduce_min3A_365 = vector.multi_reduction <minimumf>, %select_n3A_320, %reduce_min3A_364 [0] : vector<128x4096xf32> to vector<4096xf32>
    %broadcast_in_dim3A_366 = vector.shape_cast %reduce_min3A_365 : vector<4096xf32> to vector<1x4096xf32>
    %reduce_min3A_367 = arith.constant dense<0x7F800000> : vector<4096xf32>
    %reduce_min3A_368 = vector.multi_reduction <minimumf>, %select_n3A_325, %reduce_min3A_367 [0] : vector<128x4096xf32> to vector<4096xf32>
    %broadcast_in_dim3A_369 = vector.shape_cast %reduce_min3A_368 : vector<4096xf32> to vector<1x4096xf32>
    %reduce_min3A_370 = arith.constant dense<0x7F800000> : vector<4096xf32>
    %reduce_min3A_371 = vector.multi_reduction <minimumf>, %select_n3A_330, %reduce_min3A_370 [0] : vector<128x4096xf32> to vector<4096xf32>
    %broadcast_in_dim3A_372 = vector.shape_cast %reduce_min3A_371 : vector<4096xf32> to vector<1x4096xf32>
    %reduce_min3A_373 = arith.constant dense<0x7F800000> : vector<4096xf32>
    %reduce_min3A_374 = vector.multi_reduction <minimumf>, %select_n3A_335, %reduce_min3A_373 [0] : vector<128x4096xf32> to vector<4096xf32>
    %broadcast_in_dim3A_375 = vector.shape_cast %reduce_min3A_374 : vector<4096xf32> to vector<1x4096xf32>
    %reduce_min3A_376 = arith.constant dense<0x7F800000> : vector<4096xf32>
    %reduce_min3A_377 = vector.multi_reduction <minimumf>, %select_n3A_340, %reduce_min3A_376 [0] : vector<128x4096xf32> to vector<4096xf32>
    %broadcast_in_dim3A_378 = vector.shape_cast %reduce_min3A_377 : vector<4096xf32> to vector<1x4096xf32>
    %reduce_min3A_379 = arith.constant dense<0x7F800000> : vector<4096xf32>
    %reduce_min3A_380 = vector.multi_reduction <minimumf>, %select_n3A_345, %reduce_min3A_379 [0] : vector<128x4096xf32> to vector<4096xf32>
    %broadcast_in_dim3A_381 = vector.shape_cast %reduce_min3A_380 : vector<4096xf32> to vector<1x4096xf32>
    %eq3A_382 = vector.broadcast %broadcast_in_dim3A_348 : vector<1x4096xf32> to vector<128x4096xf32>
    %eq3A_383 = arith.cmpf oeq, %convert_element_type3A_40, %eq3A_382 : vector<128x4096xf32>
    %convert_element_type3A_384 = arith.extui %eq3A_383 : vector<128x4096xi1> to vector<128x4096xi32>
    %convert_element_type3A_385 = arith.sitofp %convert_element_type3A_384 : vector<128x4096xi32> to vector<128x4096xf32>
    %eq3A_386 = vector.broadcast %broadcast_in_dim3A_351 : vector<1x4096xf32> to vector<128x4096xf32>
    %eq3A_387 = arith.cmpf oeq, %convert_element_type3A_40, %eq3A_386 : vector<128x4096xf32>
    %convert_element_type3A_388 = arith.extui %eq3A_387 : vector<128x4096xi1> to vector<128x4096xi32>
    %convert_element_type3A_389 = arith.sitofp %convert_element_type3A_388 : vector<128x4096xi32> to vector<128x4096xf32>
    %eq3A_390 = vector.broadcast %broadcast_in_dim3A_354 : vector<1x4096xf32> to vector<128x4096xf32>
    %eq3A_391 = arith.cmpf oeq, %convert_element_type3A_40, %eq3A_390 : vector<128x4096xf32>
    %convert_element_type3A_392 = arith.extui %eq3A_391 : vector<128x4096xi1> to vector<128x4096xi32>
    %convert_element_type3A_393 = arith.sitofp %convert_element_type3A_392 : vector<128x4096xi32> to vector<128x4096xf32>
    %eq3A_394 = vector.broadcast %broadcast_in_dim3A_357 : vector<1x4096xf32> to vector<128x4096xf32>
    %eq3A_395 = arith.cmpf oeq, %convert_element_type3A_40, %eq3A_394 : vector<128x4096xf32>
    %convert_element_type3A_396 = arith.extui %eq3A_395 : vector<128x4096xi1> to vector<128x4096xi32>
    %convert_element_type3A_397 = arith.sitofp %convert_element_type3A_396 : vector<128x4096xi32> to vector<128x4096xf32>
    %eq3A_398 = vector.broadcast %broadcast_in_dim3A_360 : vector<1x4096xf32> to vector<128x4096xf32>
    %eq3A_399 = arith.cmpf oeq, %convert_element_type3A_40, %eq3A_398 : vector<128x4096xf32>
    %convert_element_type3A_400 = arith.extui %eq3A_399 : vector<128x4096xi1> to vector<128x4096xi32>
    %convert_element_type3A_401 = arith.sitofp %convert_element_type3A_400 : vector<128x4096xi32> to vector<128x4096xf32>
    %eq3A_402 = vector.broadcast %broadcast_in_dim3A_363 : vector<1x4096xf32> to vector<128x4096xf32>
    %eq3A_403 = arith.cmpf oeq, %convert_element_type3A_40, %eq3A_402 : vector<128x4096xf32>
    %convert_element_type3A_404 = arith.extui %eq3A_403 : vector<128x4096xi1> to vector<128x4096xi32>
    %convert_element_type3A_405 = arith.sitofp %convert_element_type3A_404 : vector<128x4096xi32> to vector<128x4096xf32>
    %eq3A_406 = vector.broadcast %broadcast_in_dim3A_366 : vector<1x4096xf32> to vector<128x4096xf32>
    %eq3A_407 = arith.cmpf oeq, %convert_element_type3A_40, %eq3A_406 : vector<128x4096xf32>
    %convert_element_type3A_408 = arith.extui %eq3A_407 : vector<128x4096xi1> to vector<128x4096xi32>
    %convert_element_type3A_409 = arith.sitofp %convert_element_type3A_408 : vector<128x4096xi32> to vector<128x4096xf32>
    %eq3A_410 = vector.broadcast %broadcast_in_dim3A_369 : vector<1x4096xf32> to vector<128x4096xf32>
    %eq3A_411 = arith.cmpf oeq, %convert_element_type3A_40, %eq3A_410 : vector<128x4096xf32>
    %convert_element_type3A_412 = arith.extui %eq3A_411 : vector<128x4096xi1> to vector<128x4096xi32>
    %convert_element_type3A_413 = arith.sitofp %convert_element_type3A_412 : vector<128x4096xi32> to vector<128x4096xf32>
    %eq3A_414 = vector.broadcast %broadcast_in_dim3A_372 : vector<1x4096xf32> to vector<128x4096xf32>
    %eq3A_415 = arith.cmpf oeq, %convert_element_type3A_40, %eq3A_414 : vector<128x4096xf32>
    %convert_element_type3A_416 = arith.extui %eq3A_415 : vector<128x4096xi1> to vector<128x4096xi32>
    %convert_element_type3A_417 = arith.sitofp %convert_element_type3A_416 : vector<128x4096xi32> to vector<128x4096xf32>
    %eq3A_418 = vector.broadcast %broadcast_in_dim3A_375 : vector<1x4096xf32> to vector<128x4096xf32>
    %eq3A_419 = arith.cmpf oeq, %convert_element_type3A_40, %eq3A_418 : vector<128x4096xf32>
    %convert_element_type3A_420 = arith.extui %eq3A_419 : vector<128x4096xi1> to vector<128x4096xi32>
    %convert_element_type3A_421 = arith.sitofp %convert_element_type3A_420 : vector<128x4096xi32> to vector<128x4096xf32>
    %eq3A_422 = vector.broadcast %broadcast_in_dim3A_378 : vector<1x4096xf32> to vector<128x4096xf32>
    %eq3A_423 = arith.cmpf oeq, %convert_element_type3A_40, %eq3A_422 : vector<128x4096xf32>
    %convert_element_type3A_424 = arith.extui %eq3A_423 : vector<128x4096xi1> to vector<128x4096xi32>
    %convert_element_type3A_425 = arith.sitofp %convert_element_type3A_424 : vector<128x4096xi32> to vector<128x4096xf32>
    %eq3A_426 = vector.broadcast %broadcast_in_dim3A_381 : vector<1x4096xf32> to vector<128x4096xf32>
    %eq3A_427 = arith.cmpf oeq, %convert_element_type3A_40, %eq3A_426 : vector<128x4096xf32>
    %convert_element_type3A_428 = arith.extui %eq3A_427 : vector<128x4096xi1> to vector<128x4096xi32>
    %convert_element_type3A_429 = arith.sitofp %convert_element_type3A_428 : vector<128x4096xi32> to vector<128x4096xf32>
    %concatenate3A = tpu.concatenate %convert_element_type3A_385, %convert_element_type3A_389, %convert_element_type3A_393, %convert_element_type3A_397 in 0 : vector<128x4096xf32>, vector<128x4096xf32>, vector<128x4096xf32>, vector<128x4096xf32> -> vector<512x4096xf32>
    %get3A_430 = arith.constant 0 : index
    %get3A_431 = arith.constant 0 : index
    %get3A_432 = arith.constant 0 : index
    %get3A_433 = vector.load %arg19[%get3A_430, %get3A_431, %get3A_432] : memref<3x512x64xf32, #tpu.memory_space<vmem>>, vector<1x512x64xf32>
    %get3A_434 = vector.shape_cast %get3A_433 : vector<1x512x64xf32> to vector<512x64xf32>
    %dot_general3A_435 = arith.constant dense<0.000000e+00> : vector<64x4096xf32>
    %dot_general3A_436 = tpu.matmul %get3A_434, %concatenate3A, %dot_general3A_435 {dimension_numbers = #tpu.dot_dimension_numbers<[0], [0], [1], [1], [0, 1, 1, 1], [], []>, transpose_lhs_hint = false} : vector<512x64xf32>, vector<512x4096xf32>, vector<64x4096xf32> -> vector<64x4096xf32>
    %sub3A = arith.subf %add3A_58, %dot_general3A_436 : vector<64x4096xf32>
    %mul3A = arith.mulf %sub3A, %sub3A : vector<64x4096xf32>
    %reduce_sum3A = vector.shape_cast %mul3A : vector<64x4096xf32> to vector<1x64x4096xf32>
    %reduce_sum3A_437 = arith.constant dense<0.000000e+00> : vector<1xf32>
    %reduce_sum3A_438 = vector.multi_reduction <add>, %reduce_sum3A, %reduce_sum3A_437 [1, 2] : vector<1x64x4096xf32> to vector<1xf32>
    %reduce_sum3A_439 = vector.shape_cast %reduce_sum3A_438 : vector<1xf32> to vector<1x1x1xf32>
    %reduce_sum3A_440 = vector.extract %reduce_sum3A_439[0, 0, 0] : f32 from vector<1x1x1xf32>
    %add3A_441 = arith.constant 0.000000e+00 : f32
    %add3A_442 = arith.addf %add3A_441, %reduce_sum3A_440 : f32
    %concatenate3A_443 = tpu.concatenate %convert_element_type3A_401, %convert_element_type3A_405, %convert_element_type3A_409, %convert_element_type3A_413 in 0 : vector<128x4096xf32>, vector<128x4096xf32>, vector<128x4096xf32>, vector<128x4096xf32> -> vector<512x4096xf32>
    %get3A_444 = arith.constant 1 : index
    %get3A_445 = arith.constant 0 : index
    %get3A_446 = arith.constant 0 : index
    %get3A_447 = vector.load %arg19[%get3A_444, %get3A_445, %get3A_446] : memref<3x512x64xf32, #tpu.memory_space<vmem>>, vector<1x512x64xf32>
    %get3A_448 = vector.shape_cast %get3A_447 : vector<1x512x64xf32> to vector<512x64xf32>
    %dot_general3A_449 = arith.constant dense<0.000000e+00> : vector<64x4096xf32>
    %dot_general3A_450 = tpu.matmul %get3A_448, %concatenate3A_443, %dot_general3A_449 {dimension_numbers = #tpu.dot_dimension_numbers<[0], [0], [1], [1], [0, 1, 1, 1], [], []>, transpose_lhs_hint = false} : vector<512x64xf32>, vector<512x4096xf32>, vector<64x4096xf32> -> vector<64x4096xf32>
    %sub3A_451 = arith.subf %add3A_98, %dot_general3A_450 : vector<64x4096xf32>
    %mul3A_452 = arith.mulf %sub3A_451, %sub3A_451 : vector<64x4096xf32>
    %reduce_sum3A_453 = vector.shape_cast %mul3A_452 : vector<64x4096xf32> to vector<1x64x4096xf32>
    %reduce_sum3A_454 = arith.constant dense<0.000000e+00> : vector<1xf32>
    %reduce_sum3A_455 = vector.multi_reduction <add>, %reduce_sum3A_453, %reduce_sum3A_454 [1, 2] : vector<1x64x4096xf32> to vector<1xf32>
    %reduce_sum3A_456 = vector.shape_cast %reduce_sum3A_455 : vector<1xf32> to vector<1x1x1xf32>
    %reduce_sum3A_457 = vector.extract %reduce_sum3A_456[0, 0, 0] : f32 from vector<1x1x1xf32>
    %add3A_458 = arith.addf %add3A_442, %reduce_sum3A_457 : f32
    %concatenate3A_459 = tpu.concatenate %convert_element_type3A_417, %convert_element_type3A_421, %convert_element_type3A_425, %convert_element_type3A_429 in 0 : vector<128x4096xf32>, vector<128x4096xf32>, vector<128x4096xf32>, vector<128x4096xf32> -> vector<512x4096xf32>
    %get3A_460 = arith.constant 2 : index
    %get3A_461 = arith.constant 0 : index
    %get3A_462 = arith.constant 0 : index
    %get3A_463 = vector.load %arg19[%get3A_460, %get3A_461, %get3A_462] : memref<3x512x64xf32, #tpu.memory_space<vmem>>, vector<1x512x64xf32>
    %get3A_464 = vector.shape_cast %get3A_463 : vector<1x512x64xf32> to vector<512x64xf32>
    %dot_general3A_465 = arith.constant dense<0.000000e+00> : vector<64x4096xf32>
    %dot_general3A_466 = tpu.matmul %get3A_464, %concatenate3A_459, %dot_general3A_465 {dimension_numbers = #tpu.dot_dimension_numbers<[0], [0], [1], [1], [0, 1, 1, 1], [], []>, transpose_lhs_hint = false} : vector<512x64xf32>, vector<512x4096xf32>, vector<64x4096xf32> -> vector<64x4096xf32>
    %sub3A_467 = arith.subf %add3A_138, %dot_general3A_466 : vector<64x4096xf32>
    %mul3A_468 = arith.mulf %sub3A_467, %sub3A_467 : vector<64x4096xf32>
    %reduce_sum3A_469 = vector.shape_cast %mul3A_468 : vector<64x4096xf32> to vector<1x64x4096xf32>
    %reduce_sum3A_470 = arith.constant dense<0.000000e+00> : vector<1xf32>
    %reduce_sum3A_471 = vector.multi_reduction <add>, %reduce_sum3A_469, %reduce_sum3A_470 [1, 2] : vector<1x64x4096xf32> to vector<1xf32>
    %reduce_sum3A_472 = vector.shape_cast %reduce_sum3A_471 : vector<1xf32> to vector<1x1x1xf32>
    %reduce_sum3A_473 = vector.extract %reduce_sum3A_472[0, 0, 0] : f32 from vector<1x1x1xf32>
    %add3A_474 = arith.addf %add3A_458, %reduce_sum3A_473 : f32
    %get3A_475 = arith.constant 2 : index
    %get3A_476 = arith.constant 0 : index
    %get3A_477 = arith.constant 0 : index
    %get3A_478 = vector.load %arg8[%get3A_475, %get3A_476, %get3A_477] : memref<3x64x64xf32, #tpu.memory_space<vmem>>, vector<1x64x64xf32>
    %get3A_479 = vector.shape_cast %get3A_478 : vector<1x64x64xf32> to vector<64x64xf32>
    %dot_general3A_480 = arith.constant dense<0.000000e+00> : vector<64x4096xf32>
    %dot_general3A_481 = tpu.matmul %get3A_479, %dot_general3A_466, %dot_general3A_480 {dimension_numbers = #tpu.dot_dimension_numbers<[1], [0], [0], [1], [0, 0, 1, 1], [], []>, transpose_lhs_hint = false} : vector<64x64xf32>, vector<64x4096xf32>, vector<64x4096xf32> -> vector<64x4096xf32>
    %slice3A_482 = vector.extract_strided_slice %get3A_24 {offsets = [2, 0, 0], sizes = [1, 64, 1], strides = [1, 1, 1]} : vector<3x64x1xf32> to vector<1x64x1xf32>
    %squeeze3A_483 = vector.shape_cast %slice3A_482 : vector<1x64x1xf32> to vector<64x1xf32>
    %add3A_484 = vector.broadcast %squeeze3A_483 : vector<64x1xf32> to vector<64x4096xf32>
    %add3A_485 = arith.addf %dot_general3A_481, %add3A_484 : vector<64x4096xf32>
    %slice3A_486 = vector.extract_strided_slice %get3A_36 {offsets = [2, 0, 0], sizes = [1, 64, 1], strides = [1, 1, 1]} : vector<3x64x1xf32> to vector<1x64x1xf32>
    %squeeze3A_487 = vector.shape_cast %slice3A_486 : vector<1x64x1xf32> to vector<64x1xf32>
    %add3A_488 = vector.broadcast %squeeze3A_487 : vector<64x1xf32> to vector<64x4096xf32>
    %add3A_489 = arith.addf %add3A_485, %add3A_488 : vector<64x4096xf32>
    %get3A_490 = arith.constant 2 : index
    %get3A_491 = arith.constant 0 : index
    %get3A_492 = arith.constant 0 : index
    %get3A_493 = vector.load %arg10[%get3A_490, %get3A_491, %get3A_492] : memref<3x64x64xf32, #tpu.memory_space<vmem>>, vector<1x64x64xf32>
    %get3A_494 = vector.shape_cast %get3A_493 : vector<1x64x64xf32> to vector<64x64xf32>
    %dot_general3A_495 = arith.constant dense<0.000000e+00> : vector<64x4096xf32>
    %dot_general3A_496 = tpu.matmul %get3A_494, %add3A_489, %dot_general3A_495 {dimension_numbers = #tpu.dot_dimension_numbers<[1], [0], [0], [1], [0, 0, 1, 1], [], []>, transpose_lhs_hint = false} : vector<64x64xf32>, vector<64x4096xf32>, vector<64x4096xf32> -> vector<64x4096xf32>
    %slice3A_497 = vector.extract_strided_slice %get3A_30 {offsets = [2, 0, 0], sizes = [1, 64, 1], strides = [1, 1, 1]} : vector<3x64x1xf32> to vector<1x64x1xf32>
    %squeeze3A_498 = vector.shape_cast %slice3A_497 : vector<1x64x1xf32> to vector<64x1xf32>
    %add3A_499 = vector.broadcast %squeeze3A_498 : vector<64x1xf32> to vector<64x4096xf32>
    %add3A_500 = arith.addf %dot_general3A_496, %add3A_499 : vector<64x4096xf32>
    %get3A_501 = arith.constant 1 : index
    %get3A_502 = arith.constant 0 : index
    %get3A_503 = arith.constant 0 : index
    %get3A_504 = vector.load %arg8[%get3A_501, %get3A_502, %get3A_503] : memref<3x64x64xf32, #tpu.memory_space<vmem>>, vector<1x64x64xf32>
    %get3A_505 = vector.shape_cast %get3A_504 : vector<1x64x64xf32> to vector<64x64xf32>
    %dot_general3A_506 = arith.constant dense<0.000000e+00> : vector<64x4096xf32>
    %dot_general3A_507 = tpu.matmul %get3A_505, %dot_general3A_450, %dot_general3A_506 {dimension_numbers = #tpu.dot_dimension_numbers<[1], [0], [0], [1], [0, 0, 1, 1], [], []>, transpose_lhs_hint = false} : vector<64x64xf32>, vector<64x4096xf32>, vector<64x4096xf32> -> vector<64x4096xf32>
    %slice3A_508 = vector.extract_strided_slice %get3A_24 {offsets = [1, 0, 0], sizes = [1, 64, 1], strides = [1, 1, 1]} : vector<3x64x1xf32> to vector<1x64x1xf32>
    %squeeze3A_509 = vector.shape_cast %slice3A_508 : vector<1x64x1xf32> to vector<64x1xf32>
    %add3A_510 = vector.broadcast %squeeze3A_509 : vector<64x1xf32> to vector<64x4096xf32>
    %add3A_511 = arith.addf %dot_general3A_507, %add3A_510 : vector<64x4096xf32>
    %get3A_512 = arith.constant 1 : index
    %get3A_513 = arith.constant 0 : index
    %get3A_514 = arith.constant 0 : index
    %get3A_515 = vector.load %arg12[%get3A_512, %get3A_513, %get3A_514] : memref<3x64x64xf32, #tpu.memory_space<vmem>>, vector<1x64x64xf32>
    %get3A_516 = vector.shape_cast %get3A_515 : vector<1x64x64xf32> to vector<64x64xf32>
    %dot_general3A_517 = arith.constant dense<0.000000e+00> : vector<64x4096xf32>
    %dot_general3A_518 = tpu.matmul %get3A_516, %add3A_500, %dot_general3A_517 {dimension_numbers = #tpu.dot_dimension_numbers<[1], [0], [0], [1], [0, 0, 1, 1], [], []>, transpose_lhs_hint = false} : vector<64x64xf32>, vector<64x4096xf32>, vector<64x4096xf32> -> vector<64x4096xf32>
    %add3A_519 = arith.addf %add3A_511, %dot_general3A_518 : vector<64x4096xf32>
    %slice3A_520 = vector.extract_strided_slice %get3A_36 {offsets = [1, 0, 0], sizes = [1, 64, 1], strides = [1, 1, 1]} : vector<3x64x1xf32> to vector<1x64x1xf32>
    %squeeze3A_521 = vector.shape_cast %slice3A_520 : vector<1x64x1xf32> to vector<64x1xf32>
    %add3A_522 = vector.broadcast %squeeze3A_521 : vector<64x1xf32> to vector<64x4096xf32>
    %add3A_523 = arith.addf %add3A_519, %add3A_522 : vector<64x4096xf32>
    %get3A_524 = arith.constant 1 : index
    %get3A_525 = arith.constant 0 : index
    %get3A_526 = arith.constant 0 : index
    %get3A_527 = vector.load %arg10[%get3A_524, %get3A_525, %get3A_526] : memref<3x64x64xf32, #tpu.memory_space<vmem>>, vector<1x64x64xf32>
    %get3A_528 = vector.shape_cast %get3A_527 : vector<1x64x64xf32> to vector<64x64xf32>
    %dot_general3A_529 = arith.constant dense<0.000000e+00> : vector<64x4096xf32>
    %dot_general3A_530 = tpu.matmul %get3A_528, %add3A_523, %dot_general3A_529 {dimension_numbers = #tpu.dot_dimension_numbers<[1], [0], [0], [1], [0, 0, 1, 1], [], []>, transpose_lhs_hint = false} : vector<64x64xf32>, vector<64x4096xf32>, vector<64x4096xf32> -> vector<64x4096xf32>
    %slice3A_531 = vector.extract_strided_slice %get3A_30 {offsets = [1, 0, 0], sizes = [1, 64, 1], strides = [1, 1, 1]} : vector<3x64x1xf32> to vector<1x64x1xf32>
    %squeeze3A_532 = vector.shape_cast %slice3A_531 : vector<1x64x1xf32> to vector<64x1xf32>
    %add3A_533 = vector.broadcast %squeeze3A_532 : vector<64x1xf32> to vector<64x4096xf32>
    %add3A_534 = arith.addf %dot_general3A_530, %add3A_533 : vector<64x4096xf32>
    %get3A_535 = arith.constant 0 : index
    %get3A_536 = arith.constant 0 : index
    %get3A_537 = arith.constant 0 : index
    %get3A_538 = vector.load %arg8[%get3A_535, %get3A_536, %get3A_537] : memref<3x64x64xf32, #tpu.memory_space<vmem>>, vector<1x64x64xf32>
    %get3A_539 = vector.shape_cast %get3A_538 : vector<1x64x64xf32> to vector<64x64xf32>
    %dot_general3A_540 = arith.constant dense<0.000000e+00> : vector<64x4096xf32>
    %dot_general3A_541 = tpu.matmul %get3A_539, %dot_general3A_436, %dot_general3A_540 {dimension_numbers = #tpu.dot_dimension_numbers<[1], [0], [0], [1], [0, 0, 1, 1], [], []>, transpose_lhs_hint = false} : vector<64x64xf32>, vector<64x4096xf32>, vector<64x4096xf32> -> vector<64x4096xf32>
    %slice3A_542 = vector.extract_strided_slice %get3A_24 {offsets = [0, 0, 0], sizes = [1, 64, 1], strides = [1, 1, 1]} : vector<3x64x1xf32> to vector<1x64x1xf32>
    %squeeze3A_543 = vector.shape_cast %slice3A_542 : vector<1x64x1xf32> to vector<64x1xf32>
    %add3A_544 = vector.broadcast %squeeze3A_543 : vector<64x1xf32> to vector<64x4096xf32>
    %add3A_545 = arith.addf %dot_general3A_541, %add3A_544 : vector<64x4096xf32>
    %get3A_546 = arith.constant 0 : index
    %get3A_547 = arith.constant 0 : index
    %get3A_548 = arith.constant 0 : index
    %get3A_549 = vector.load %arg12[%get3A_546, %get3A_547, %get3A_548] : memref<3x64x64xf32, #tpu.memory_space<vmem>>, vector<1x64x64xf32>
    %get3A_550 = vector.shape_cast %get3A_549 : vector<1x64x64xf32> to vector<64x64xf32>
    %dot_general3A_551 = arith.constant dense<0.000000e+00> : vector<64x4096xf32>
    %dot_general3A_552 = tpu.matmul %get3A_550, %add3A_534, %dot_general3A_551 {dimension_numbers = #tpu.dot_dimension_numbers<[1], [0], [0], [1], [0, 0, 1, 1], [], []>, transpose_lhs_hint = false} : vector<64x64xf32>, vector<64x4096xf32>, vector<64x4096xf32> -> vector<64x4096xf32>
    %add3A_553 = arith.addf %add3A_545, %dot_general3A_552 : vector<64x4096xf32>
    %slice3A_554 = vector.extract_strided_slice %get3A_36 {offsets = [0, 0, 0], sizes = [1, 64, 1], strides = [1, 1, 1]} : vector<3x64x1xf32> to vector<1x64x1xf32>
    %squeeze3A_555 = vector.shape_cast %slice3A_554 : vector<1x64x1xf32> to vector<64x1xf32>
    %add3A_556 = vector.broadcast %squeeze3A_555 : vector<64x1xf32> to vector<64x4096xf32>
    %add3A_557 = arith.addf %add3A_553, %add3A_556 : vector<64x4096xf32>
    %get3A_558 = arith.constant 0 : index
    %get3A_559 = arith.constant 0 : index
    %get3A_560 = arith.constant 0 : index
    %get3A_561 = vector.load %arg10[%get3A_558, %get3A_559, %get3A_560] : memref<3x64x64xf32, #tpu.memory_space<vmem>>, vector<1x64x64xf32>
    %get3A_562 = vector.shape_cast %get3A_561 : vector<1x64x64xf32> to vector<64x64xf32>
    %dot_general3A_563 = arith.constant dense<0.000000e+00> : vector<64x4096xf32>
    %dot_general3A_564 = tpu.matmul %get3A_562, %add3A_557, %dot_general3A_563 {dimension_numbers = #tpu.dot_dimension_numbers<[1], [0], [0], [1], [0, 0, 1, 1], [], []>, transpose_lhs_hint = false} : vector<64x64xf32>, vector<64x4096xf32>, vector<64x4096xf32> -> vector<64x4096xf32>
    %slice3A_565 = vector.extract_strided_slice %get3A_30 {offsets = [0, 0, 0], sizes = [1, 64, 1], strides = [1, 1, 1]} : vector<3x64x1xf32> to vector<1x64x1xf32>
    %squeeze3A_566 = vector.shape_cast %slice3A_565 : vector<1x64x1xf32> to vector<64x1xf32>
    %add3A_567 = vector.broadcast %squeeze3A_566 : vector<64x1xf32> to vector<64x4096xf32>
    %add3A_568 = arith.addf %dot_general3A_564, %add3A_567 : vector<64x4096xf32>
    %transpose3A = tpu.transpose %add3A_568, [1, 0] : vector<64x4096xf32> -> vector<4096x64xf32>
    %swap3A = arith.constant 0 : index
    %swap3A_569 = arith.constant 0 : index
    %swap3A_570 = vector.load %arg16[%swap3A, %swap3A_569] : memref<4096x64xf32, #tpu.memory_space<vmem>>, vector<4096x64xf32>
    tpu.vector_store %arg16[%swap3A, %swap3A_569], %transpose3A {strides = array<i32>} : memref<4096x64xf32, #tpu.memory_space<vmem>>, vector<4096x64xf32>,
    %eq3A_571 = arith.constant 0 : i32
    %eq3A_572 = arith.cmpi eq, %arg0, %eq3A_571 : i32
    %convert_element_type3A_573 = arith.extui %eq3A_572 : i1 to i32
    %cond3A_574 = arith.constant 0 : i32
    %cond3A_575 = arith.cmpi ne, %convert_element_type3A_573, %cond3A_574 : i32
    scf.if %cond3A_575 {
      %swap3A_580 = arith.constant 0 : index
      %swap3A_581 = arith.constant 0 : index
      %swap3A_582 = memref.load %arg17[%swap3A_580, %swap3A_581] : memref<1x1xf32, #tpu.memory_space<smem>>
      memref.store %add3A_474, %arg17[%swap3A_580, %swap3A_581] : memref<1x1xf32, #tpu.memory_space<smem>>
    } else {
    }
    %ne3A = arith.constant 0 : i32
    %ne3A_576 = arith.cmpi ne, %arg0, %ne3A : i32
    %convert_element_type3A_577 = arith.extui %ne3A_576 : i1 to i32
    %cond3A_578 = arith.constant 0 : i32
    %cond3A_579 = arith.cmpi ne, %convert_element_type3A_577, %cond3A_578 : i32
    scf.if %cond3A_579 {
      %get3A_580 = arith.constant 0 : index
      %get3A_581 = arith.constant 0 : index
      %get3A_582 = memref.load %arg17[%get3A_580, %get3A_581] : memref<1x1xf32, #tpu.memory_space<smem>>
      %add3A_583 = arith.addf %get3A_582, %add3A_474 : f32
      %swap3A_584 = arith.constant 0 : index
      %swap3A_585 = arith.constant 0 : index
      %swap3A_586 = memref.load %arg17[%swap3A_584, %swap3A_585] : memref<1x1xf32, #tpu.memory_space<smem>>
      memref.store %add3A_583, %arg17[%swap3A_584, %swap3A_585] : memref<1x1xf32, #tpu.memory_space<smem>>
    } else {
    }
    return
  }
  func.func @transform_0(%arg0: i32) -> (i32, i32) {
    %c0_i32 = arith.constant 0 : i32
    %c0_i32_0 = arith.constant 0 : i32
    return %c0_i32, %arg0 : i32, i32
  }
  func.func @transform_1(%arg0: i32) -> (i32, i32, i32) {
    %c0_i32 = arith.constant 0 : i32
    %c0_i32_0 = arith.constant 0 : i32
    %c0_i32_1 = arith.constant 0 : i32
    %c0_i32_2 = arith.constant 0 : i32
    return %c0_i32, %c0_i32_0, %c0_i32_1 : i32, i32, i32
  }
  func.func @transform_2(%arg0: i32) -> (i32, i32) {
    %c0_i32 = arith.constant 0 : i32
    %c0_i32_0 = arith.constant 0 : i32
    %c0_i32_1 = arith.constant 0 : i32
    return %c0_i32, %c0_i32_0 : i32, i32
  }
  func.func @transform_3(%arg0: i32) -> (i32, i32, i32) {
    %c0_i32 = arith.constant 0 : i32
    %c0_i32_0 = arith.constant 0 : i32
    %c0_i32_1 = arith.constant 0 : i32
    %c0_i32_2 = arith.constant 0 : i32
    return %c0_i32, %c0_i32_0, %c0_i32_1 : i32, i32, i32
  }
  func.func @transform_4(%arg0: i32) -> (i32, i32) {
    %c0_i32 = arith.constant 0 : i32
    %c0_i32_0 = arith.constant 0 : i32
    %c0_i32_1 = arith.constant 0 : i32
    return %c0_i32, %c0_i32_0 : i32, i32
  }
  func.func @transform_5(%arg0: i32) -> (i32, i32, i32) {
    %c0_i32 = arith.constant 0 : i32
    %c0_i32_0 = arith.constant 0 : i32
    %c0_i32_1 = arith.constant 0 : i32
    %c0_i32_2 = arith.constant 0 : i32
    return %c0_i32, %c0_i32_0, %c0_i32_1 : i32, i32, i32
  }
  func.func @transform_6(%arg0: i32) -> (i32, i32) {
    %c0_i32 = arith.constant 0 : i32
    %c0_i32_0 = arith.constant 0 : i32
    %c0_i32_1 = arith.constant 0 : i32
    return %c0_i32, %c0_i32_0 : i32, i32
  }
  func.func @transform_7(%arg0: i32) -> (i32, i32, i32) {
    %c0_i32 = arith.constant 0 : i32
    %c0_i32_0 = arith.constant 0 : i32
    %c0_i32_1 = arith.constant 0 : i32
    %c0_i32_2 = arith.constant 0 : i32
    return %c0_i32, %c0_i32_0, %c0_i32_1 : i32, i32, i32
  }
  func.func @transform_8(%arg0: i32) -> (i32, i32) {
    %c0_i32 = arith.constant 0 : i32
    %c0_i32_0 = arith.constant 0 : i32
    %c0_i32_1 = arith.constant 0 : i32
    return %c0_i32, %c0_i32_0 : i32, i32
  }
  func.func @transform_9(%arg0: i32) -> (i32, i32, i32) {
    %c0_i32 = arith.constant 0 : i32
    %c0_i32_0 = arith.constant 0 : i32
    %c0_i32_1 = arith.constant 0 : i32
    %c0_i32_2 = arith.constant 0 : i32
    return %c0_i32, %c0_i32_0, %c0_i32_1 : i32, i32, i32
  }
  func.func @transform_10(%arg0: i32) -> (i32, i32) {
    %c0_i32 = arith.constant 0 : i32
    %c0_i32_0 = arith.constant 0 : i32
    %c0_i32_1 = arith.constant 0 : i32
    return %c0_i32, %c0_i32_0 : i32, i32
  }
  func.func @transform_11(%arg0: i32) -> (i32, i32, i32) {
    %c0_i32 = arith.constant 0 : i32
    %c0_i32_0 = arith.constant 0 : i32
    %c0_i32_1 = arith.constant 0 : i32
    %c0_i32_2 = arith.constant 0 : i32
    return %c0_i32, %c0_i32_0, %c0_i32_1 : i32, i32, i32
  }
  func.func @transform_12(%arg0: i32) -> (i32, i32) {
    %c0_i32 = arith.constant 0 : i32
    %c0_i32_0 = arith.constant 0 : i32
    %c0_i32_1 = arith.constant 0 : i32
    return %c0_i32, %c0_i32_0 : i32, i32
  }
  func.func @transform_13(%arg0: i32) -> (i32, i32, i32, i32) {
    %c0_i32 = arith.constant 0 : i32
    %c0_i32_0 = arith.constant 0 : i32
    %c0_i32_1 = arith.constant 0 : i32
    %c0_i32_2 = arith.constant 0 : i32
    %c0_i32_3 = arith.constant 0 : i32
    return %c0_i32, %c0_i32_0, %c0_i32_1, %c0_i32_2 : i32, i32, i32, i32
  }
  func.func @transform_14(%arg0: i32) -> (i32, i32, i32) {
    %c0_i32 = arith.constant 0 : i32
    %c0_i32_0 = arith.constant 0 : i32
    %c0_i32_1 = arith.constant 0 : i32
    %c0_i32_2 = arith.constant 0 : i32
    return %c0_i32, %c0_i32_0, %c0_i32_1 : i32, i32, i32
  }
  func.func @transform_15(%arg0: i32) -> (i32, i32) {
    %c0_i32 = arith.constant 0 : i32
    %c0_i32_0 = arith.constant 0 : i32
    return %arg0, %c0_i32 : i32, i32
  }
  func.func @transform_16(%arg0: i32) -> (i32, i32) {
    %c0_i32 = arith.constant 0 : i32
    %c0_i32_0 = arith.constant 0 : i32
    %c0_i32_1 = arith.constant 0 : i32
    return %c0_i32, %c0_i32_0 : i32, i32
  }
}

</mosaic_0001>

<sc_bundles>
// kernel: sparse-core-data-format-call.1.cloned.1.call-start
scs
called_computation.1_lowered:
.L_overlay_start_0:
0x0: {  	s2 =	sld [smem:$0x3FD9]  }
0x1: {  	s3 =	sld [smem:$0x3FFE];
	_ =	sdelay $0x1  }
0x2: {  	s1 =	srdreg.scid  }
0x3: {  	s0 =	sand.u32 $0x1, s1  }
0x4: {  	s16 =	sshll.u32 s0, $0xA;
	s2 =	sadd.s32 s3, s2  }
0x5: {  	s2 =	sadd.s32 s2, s16  }
0x6: {  	[smem:$0x3FBA] =	sst s2  }
0x7: {  	_ = 	snop  }
0x8: {  	s2 =	sld [smem:$0x3FD0];
	_ =	sdelay $0x2  }
0x9: {  	s4 =	simm.s32 $0xA;
	s5 =	simm.s32 $0x10;
	s17 =	sld [smem:$0x3FC9]  }
0xa: {  	[smem:s5], [sflag:s4] =	dma.local [hbm:s2], $0x1  }
0xb: {  	_ =	swait.eq [sflag:s4], $0x1  }
0xc: {  	[sflag:s4] =	ssyncset.done $0x0  }
0xd: {  	[sflag:s4] =	ssyncadd.s32 $0xFFFFFFFF  }
0xe: {  	s18 =	sld [smem:$0x10];
	(tm) =	ssettm $0x1  }
0xf: {  	s19 =	sld [smem:$0x3FFB];
	_ =	sdelay $0x3  }
0x10: {  	_ =	strace s19  }
0x11: {  	s4 =	sld [smem:$0x3FFC];
	_ =	sdelay $0x3  }
0x12: {  	_ =	strace s4  }
0x13: {  	s4 =	sld [smem:$0x3FFD];
	_ =	sdelay $0x3  }
0x14: {  	_ =	strace s4  }
0x15: {  	_ =	strace $0x8FFFFFFF  }
0x16: {  	s20 =	sld [smem:$0x3FDB];
	_ =	sdelay $0x1  }
0x17: {  	s21 =	simm.s32 $_scs_section_size  }
0x18: {  	s6 =	simm.s32 $_size__tile_overlayer_lowered;
	s7 =	simm.s32 $_tile_overlayer_lowered  }
0x19: {  	s24 =	simm.s32 $0x1BFF;
	s23 =	sshll.u32 s7, $0x1;
	s4 =	sadd.s32 s21, s20  }
0x1a: {  	s8 =	simm.s32 $0x0;
	s22 =	sshll.u32 s6, $0x1;
	s6 =	sadd.s32 s23, s4  }
0x1b: {  	[timem:s8], [sflag:s24] =	dma.local [hbm:s6], s22  }
0x1c: {  	_ =	swait.ge [sflag:s24], s22  }
0x1d: {  	s5 =	ssub.s32 $0x0, s22;
	[sflag:s24] =	ssyncset.done $0x0  }
0x1e: {  	[sflag:s24] =	ssyncadd.s32 s5;
	_ =	sdelay $0x1  }
0x1f: {  	s25 =	simm.s32 $0x1B8B  }
0x20: {  	_ =	swait.ge [sflag:s25], $0x1  }
0x21: {  	[sflag:s25] =	ssyncset.done $0x0  }
0x22: {  	s26 =	simm.s32 $0x1B8E;
	[sflag:s25] =	ssyncadd.s32 $0xFFFFFFFF  }
0x23: {  	s27 =	simm.s32 $execute0_lowered;
	[smem:$0x3FD2] =	sst s26  }
0x24: {  	s5 =	sshll.u32 s27, $0x1;
	_ =	strace $0x80000046;
	[dreg:$0x1] =	wrdreg $0xFFFFFFFF  }
0x25: {  	s28 =	simm.s32 $_size_execute0_lowered;
	s4 =	sadd.s32 s4, s5;
	[dreg:$0x0] =	wrdreg $0x0  }
0x26: {  	s5 =	sshll.u32 s28, $0x1;
	[dreg:$0x2] =	wrdreg s4  }
0x27: {  	[dreg:$0x3] =	wrdreg s5  }
0x28: {  	[dreg:$0x4] =	wrdreg $0xC0  }
0x29: {  	_ =	task [dreg:s8], $0x5FFFF  }
0x2a: {  	[dreg:$0x1] =	wrdreg $0xFFFFFFFF  }
0x2b: {  	[dreg:$0x0] =	wrdreg $0x60  }
0x2c: {  	[dreg:$0x2] =	wrdreg s17  }
0x2d: {  	[dreg:$0x3] =	wrdreg s18  }
0x2e: {  	[dreg:$0x4] =	wrdreg $0x9  }
0x2f: {  	_ =	task.clear_ibuf [dreg:s8], $0x5FFFF;
	_ =	strace $0x90000046  }
0x30: {  	s29 =	simm.s32 $0x9;
	_ =	strace $0x80000048  }
0x31: {  	_ =	swait.ge [sflag:s29], $0x1  }
0x32: {  	[sflag:s29] =	ssyncadd.s32 $0xFFFFFFFF  }
0x33: {  	_ =	strace $0x90000048  }
0x34: {  	_ =	sfence  }
0x35: {  	s30 =	sld [smem:$0x0];
	_ =	sdelay $0x2  }
0x36: {  	s31 =	sshll.u32 s1, $0xD;
	s1 =	sshrl.u32 s1, $0x2  }
0x37: {  	s3 =	sand.u32 $0x4000, s31;
	s1 =	sadd.s32 s1, s30  }
0x38: {  	s0 =	sor.u32 s3, s0;
	s1 =	sshll.u32 s1, $0x11  }
0x39: {  	s0 =	sor.u32 s1, s0  }
0x3a: {  	s0 =	sadd.s32 $0x8F2B, s0  }
0x3b: {  	[sflag:s0] =	ssyncadd.remote.s32 $0x1  }
0x3c: {  	_ =	sfence.sel $0xFFFF  }
0x3d: {  	[dreg:$0x0] =	wrdreg $0xFFFFFFFF;
	(pc) =	sbr.abs _section_cstart, $3  }
0x3e: {  	[dreg:$0x1] =	wrdreg $0xFFFFFFFF  }
0x3f: {  	_ =	task.clear_ibuf [dreg:s8], $0x2FFFF;
	_ =	strace $0x9FFFFFFF  }
0x40: {  	(tm) =	ssettm $0x7FFFFFFF  }
0x41: {  	_ =	shalt  }
tec
execute0_lowered:
.L_overlay_start_1:
0x0: {  	(tag) =	ssettag $0x1  }
0x1: {  	s2 =	rddreg [dreg:$0x0]  }
0x2: {  	s3 =	rddreg [dreg:$0x1]  }
0x3: {  	s0 =	rddreg [dreg:$0x2]  }
0x4: {  	s1 =	srdreg.scid;
	_ =	strace $0x80000047;
	s7 =	simm.s32 $0x2  }
0x5: {  	s15 =	simm.s32 $0x0;
	p0 =	por $0x0, $0x0;
	s13 =	simm.s32 $0x0  }
0x6: {  	s16 =	simm.s32 $0x0;
	s14 =	simm.s32 $0x0;
	s9 =	simm.s32 $0x0  }
.Ltmp0:
0x7: {  	s10 =	simm.s32 $0x0;
	s4 =	sshll.u32 s1, $0x4;
	(pc) =	sbr.rel .LBB1_1-.Ltmp0, $4  }
0x8: {  	s1 =	stileid.u32;
	s5 =	sand.u32 $0x10, s4;
	s4 =	simm.s32 $0x1  }
0x9: {  	s8 =	simm.s32 $0x0;
	s6 =	sor.u32 s1, s5;
	[sflag:s4] =	ssyncpa.u1 $0x0  }
0xa: {  	s5 =	sand.u32 $0x7, s1;
	s6 =	sshrl.u32 s6, $0x3;
	[sflag:s7] =	ssyncpa.u1 $0x0  }
0xb: {  	s7 =	simm.s32 $0xC00;
	s12 =	smov.u32 s5;
	s11 =	smov.u32 s6  }
.LBB1_5:
0xc: {  	s17 =	sadd.s32 $0x80, s9  }
0xd: {  	s13 =	sadd.s32 $0x80, s10;
	s18 =	smov.u32 s10;
	p2 =	sgt.s32 s17, $0x17F  }
0xe: {  	s18 =	smov.u32 @p2 s13  }
0xf: {  	s19 =	smov.u32 s11;
	s13 =	sadd.s32 $0x4, s11;
	p3 =	sgt.s32 s18, $0x17F  }
0x10: {  	s19 =	smov.u32 @p3 s13  }
0x11: {  	s20 =	smov.u32 s12;
	s13 =	sadd.s32 $0x8, s12;
	p4 =	sgt.s32 s19, $0x7  }
0x12: {  	p1 =	slt.u32 s8, $0x2;
	s20 =	smov.u32 @p4 s13  }
0x13: {  	s8 =	sadd.s32 $0x1, s8;
	s17 =	simm.s32 @p2 $0x0;
	p2 =	sgt.s32 s20, $0x7  }
0x14: {  	s15 =	smov.u32 s9;
	s20 =	smov.u32 @p2 s5;
	p2 =	sne.s32 s8, $0x14  }
.Ltmp1:
0x15: {  	s16 =	smov.u32 s11;
	s21 =	simm.s32 @!p1 $0x2;
	(pc) =	sbr.rel @!p2 .LBB1_6-.Ltmp1, $4  }
0x16: {  	s14 =	smov.u32 s12;
	p0 =	por !p0, !p0;
	_ =	swait.ge @!p1 [sflag:s21], $0x4000  }
0x17: {  	[sflag:s21] =	ssyncset.done @!p1 $0x0;
	s9 =	smov.u32 s17;
	s18 =	simm.s32 @p3 $0x0  }
0x18: {  	[sflag:s21] =	ssyncadd.s32 @!p1 $0xFFFFC000;
	s19 =	smov.u32 @p4 s6;
	s13 =	smov.u32 s10  }
0x19: {  	s10 =	smov.u32 s18;
	s11 =	smov.u32 s19;
	s12 =	smov.u32 s20  }
.LBB1_1:
0x1a: {  	p1 =	sgt.u32 s8, $0x11  }
0x1b: {  	s17 =	sshrl.u32 @!p1 s10, $0x3  }
0x1c: {  	s18 =	sshll.u32 @!p1 s9, $0x3;
	s17 =	smul.u32 @!p1 $0xC00, s17  }
0x1d: {  	s19 =	sshll.u32 @!p1 s10, $0x7;
	s18 =	sand.u32 @!p1 $0xFFFFFC00, s18  }
0x1e: {  	s17 =	sadd.s32 @!p1 s17, s18;
	s18 =	sand.u32 @!p1 $0x380, s19  }
0x1f: {  	s19 =	sand.u32 @!p1 $0x7F, s9;
	s17 =	sor.u32 @!p1 s18, s17  }
0x20: {  	s18 =	sor.u32 @!p1 s19, s17;
	s17 =	smulhi.u32 @!p1 $0xAAAAAAAB, s17;
	_ =	sdelay $0x1  }
0x21: {  	s19 =	smulhi.u32 @!p1 $0xAAAAAAAB, s18;
	s17 =	sshrl.u32 @!p1 s17, $0x8  }
0x22: {  	s20 =	smulhi.u32 @!p1 $0xAAAAAB, s17  }
0x23: {  	s22 =	smul.u32 @!p1 $0x24000, s12  }
0x24: {  	s19 =	sshrl.u32 @!p1 s19, $0x8;
	s20 =	smul.u32 @!p1 $0x180, s20  }
0x25: {  	s21 =	sxor.u32 @!p1 $0xFFFFFFFF, s8;
	s19 =	smul.u32 @!p1 $0x180, s19  }
0x26: {  	s21 =	sshll.u32 @!p1 s21, $0xE;
	s17 =	ssub.s32 @!p1 s17, s20;
	s20 =	smul.u32 @!p1 $0x4800, s11  }
0x27: {  	s18 =	ssub.s32 @!p1 s18, s19;
	s19 =	sadd.s32 @!p1 s2, s22;
	s17 =	smul.u32 @!p1 $0x30, s17  }
0x28: {  	s21 =	sand.u32 @!p1 $0x4000, s21;
	s19 =	sadd.s32 @!p1 s20, s19;
	s20 =	sand.u32 @!p1 $0x7, s18  }
0x29: {  	s18 =	sshrl.u32 @!p1 s18, $0x3;
	s17 =	sadd.s32 @!p1 s17, s19;
	s19 =	sshll.u32 @!p1 s20, $0x12  }
0x2a: {  	s17 =	sadd.s32 @!p1 s18, s17;
	s18 =	sor.u32 @!p1 $0x400, s19;
	s19 =	simm.s32 @!p1 $0xC00  }
0x2b: {  	[tilespmem:s21], [sflag:$0x1] =	stream.strided.gather @!p1 [hbm4b:s17+s18], $0x4000, s19, s18, $0x38;
	[tilespmem:$0x10000] =	vst v63  }
0x2c: {  	p1 =	seq.s32 s8, $0x0  }
0x2d: {  	p2 =	seq.s32 @!p1 s8, $0x13  }
0x2e: {  	p1 =	por p1, p2  }
.Ltmp2:
0x2f: {  	_ = 	snop;
	(pc) =	sbr.rel @p1 .LBB1_5-.Ltmp2, $1  }
0x30: {  	_ =	sdelay $0x3  }
0x31: {  	s17 =	simm.s32 $0x1  }
0x32: {  	s17 =	simm.s32 @!p0 $0x0  }
0x33: {  	s17 =	sshll.u32 s17, $0xE  }
0x34: {  	s18 =	sor.u32 $0x40, s17  }
0x35: {  	v1 =	vmov s18;
	_ =	sdelay $0x1  }
0x36: {  	_ =	swait.ge [sflag:s4], $0x4000  }
0x37: {  	[sflag:s4] =	ssyncset.done $0x0  }
0x38: {  	s19 =	simm.s32 $0x0;
	[sflag:s4] =	ssyncadd.s32 $0xFFFFC000  }
0x39: {  	s17 =	sor.u32 $0x8070, s17;
	v6 =	vld.idx.msk [tilespmem:v1+s19+$0x30 ss:$0x1], $0xffff  }
0x3a: {  	v0 =	vmov s17;
	v8 =	vld.idx.msk [tilespmem:v1+s19+$0xFFFFFFC0 ss:$0x1], $0xffff  }
0x3b: {  	v7 =	vld.idx.msk [tilespmem:v1+s19+$0xFFFFFFD0 ss:$0x1], $0xffff  }
0x3c: {  	v5 =	vld.idx.msk [tilespmem:v1+s19+$0xFFFFFFE0 ss:$0x1], $0xffff  }
0x3d: {  	v4 =	vld.idx.msk [tilespmem:v1+s19+$0xFFFFFFF0 ss:$0x1], $0xffff  }
0x3e: {  	s31 =	sshll.u32 s8, $0xE;
	v2 =	vld.idx.msk [tilespmem:v1+s19+$0x0 ss:$0x1], $0xffff  }
0x3f: {  	s17 =	sand.u32 $0x4000, s31;
	v3 =	vld.idx.msk [tilespmem:v1+s19+$0x10 ss:$0x1], $0xffff;
	[tilespmem:v0+s19+$0x0 ss:$0x1] =	vst.idx.msk $0xffff, v6  }
0x40: {  	s20 =	simm.s32 $0x400;
	s18 =	simm.s32 $0x80;
	s17 =	sor.u32 $0x8000, s17;
	[tilespmem:v0+s19+$0xFFFFFF90 ss:$0x1] =	vst.idx.msk $0xffff, v8;
	v6 =	vld.idx.msk [tilespmem:v1+s19+$0x20 ss:$0x1], $0xffff  }
.LBB1_3:
0x41: {  	p1 =	sne.s32 s20, $0xFE00;
	v8 =	vld.idx.msk [tilespmem:v1+s18+$0x30 ss:$0x1], $0xffff;
	[tilespmem:v0+s19+$0xFFFFFFA0 ss:$0x1] =	vst.idx.msk $0xffff, v7  }
0x42: {  	v9 =	vld.idx.msk [tilespmem:v1+s18+$0xFFFFFFC0 ss:$0x1], $0xffff;
	[tilespmem:v0+s19+$0xFFFFFFB0 ss:$0x1] =	vst.idx.msk $0xffff, v5  }
0x43: {  	v7 =	vld.idx.msk [tilespmem:v1+s18+$0xFFFFFFD0 ss:$0x1], $0xffff;
	[tilespmem:v0+s19+$0xFFFFFFC0 ss:$0x1] =	vst.idx.msk $0xffff, v4  }
.Ltmp3:
0x44: {  	v5 =	vld.idx.msk [tilespmem:v1+s18+$0xFFFFFFE0 ss:$0x1], $0xffff;
	[tilespmem:v0+s19+$0xFFFFFFD0 ss:$0x1] =	vst.idx.msk $0xffff, v2;
	(pc) =	sbr.rel @p1 .LBB1_3-.Ltmp3, $4  }
0x45: {  	v4 =	vld.idx.msk [tilespmem:v1+s18+$0xFFFFFFF0 ss:$0x1], $0xffff;
	[tilespmem:v0+s19+$0xFFFFFFE0 ss:$0x1] =	vst.idx.msk $0xffff, v3  }
0x46: {  	v2 =	vld.idx.msk [tilespmem:v1+s18+$0x0 ss:$0x1], $0xffff;
	[tilespmem:v0+s19+$0xFFFFFFF0 ss:$0x1] =	vst.idx.msk $0xffff, v6;
	s19 =	smov.u32 s18  }
0x47: {  	v3 =	vld.idx.msk [tilespmem:v1+s19+$0x10 ss:$0x1], $0xffff;
	[tilespmem:v0+s19+$0x0 ss:$0x1] =	vst.idx.msk $0xffff, v8  }
0x48: {  	s18 =	sshra.s32 s20, $0x2;
	s20 =	sadd.s32 $0x200, s20;
	[tilespmem:v0+s19+$0xFFFFFF90 ss:$0x1] =	vst.idx.msk $0xffff, v9;
	v6 =	vld.idx.msk [tilespmem:v1+s19+$0x20 ss:$0x1], $0xffff  }
0x49: {  	_ =	sdelay $0x2  }
0x4a: {  	s20 =	sshrl.u32 s16, $0x3  }
0x4b: {  	s21 =	sshll.u32 s15, $0x3;
	[tilespmem:v0+s19+$0xFFFFFFA0 ss:$0x1] =	vst.idx.msk $0xffff, v7;
	s20 =	smul.u32 $0xC00, s20  }
0x4c: {  	s27 =	sshll.u32 s16, $0x7;
	v56 =	vld.idx.msk [tilespmem:v1+s18+$0x30 ss:$0x1], $0xffff;
	[tilespmem:v0+s19+$0xFFFFFFB0 ss:$0x1] =	vst.idx.msk $0xffff, v5;
	s21 =	sand.u32 $0xFFFFFC00, s21  }
0x4d: {  	v57 =	vld.idx.msk [tilespmem:v1+s18+$0xFFFFFFC0 ss:$0x1], $0xffff;
	s16 =	sand.u32 $0x380, s27;
	[tilespmem:v0+s19+$0xFFFFFFC0 ss:$0x1] =	vst.idx.msk $0xffff, v4;
	s20 =	sadd.s32 s20, s21  }
0x4e: {  	s28 =	sand.u32 $0x7F, s15;
	v58 =	vld.idx.msk [tilespmem:v1+s18+$0xFFFFFFD0 ss:$0x1], $0xffff;
	[tilespmem:v0+s19+$0xFFFFFFD0 ss:$0x1] =	vst.idx.msk $0xffff, v2;
	s16 =	sor.u32 s16, s20  }
0x4f: {  	v59 =	vld.idx.msk [tilespmem:v1+s18+$0xFFFFFFE0 ss:$0x1], $0xffff;
	[tilespmem:v0+s19+$0xFFFFFFE0 ss:$0x1] =	vst.idx.msk $0xffff, v3;
	s15 =	sor.u32 s28, s16;
	s16 =	smulhi.u32 $0xAAAAAAAB, s16  }
0x50: {  	v60 =	vld.idx.msk [tilespmem:v1+s18+$0xFFFFFFF0 ss:$0x1], $0xffff;
	[tilespmem:v0+s19+$0xFFFFFFF0 ss:$0x1] =	vst.idx.msk $0xffff, v6;
	s29 =	smulhi.u32 $0xAAAAAAAB, s15  }
0x51: {  	v61 =	vld.idx.msk [tilespmem:v1+s18+$0x0 ss:$0x1], $0xffff;
	s14 =	smul.u32 $0x24000, s14;
	[tilespmem:v0+s18+$0x0 ss:$0x1] =	vst.idx.msk $0xffff, v56  }
0x52: {  	v62 =	vld.idx.msk [tilespmem:v1+s18+$0x10 ss:$0x1], $0xffff;
	s13 =	smul.u32 $0x180, s13;
	[tilespmem:v0+s18+$0xFFFFFF90 ss:$0x1] =	vst.idx.msk $0xffff, v57;
	s16 =	sshrl.u32 s16, $0x8;
	s30 =	sshrl.u32 s29, $0x8  }
0x53: {  	v63 =	vld.idx.msk [tilespmem:v1+s18+$0x20 ss:$0x1], $0xffff;
	[tilespmem:v0+s18+$0xFFFFFFA0 ss:$0x1] =	vst.idx.msk $0xffff, v58;
	s16 =	sand.u32 $0x7, s16;
	s19 =	smul.u32 $0x180, s30  }
0x54: {  	[tilespmem:v0+s18+$0xFFFFFFB0 ss:$0x1] =	vst.idx.msk $0xffff, v59;
	s16 =	smul.u32 $0x30, s16  }
.Ltmp4:
0x55: {  	s14 =	sadd.s32 s3, s14;
	[tilespmem:v0+s18+$0xFFFFFFC0 ss:$0x1] =	vst.idx.msk $0xffff, v60;
	s15 =	ssub.s32 s15, s19;
	(pc) =	sbr.rel .LBB1_5-.Ltmp4, $4  }
0x56: {  	s13 =	sadd.s32 s13, s14;
	[tilespmem:v0+s18+$0xFFFFFFD0 ss:$0x1] =	vst.idx.msk $0xffff, v61;
	s31 =	sand.u32 $0x7, s15  }
0x57: {  	[tilespmem:v0+s18+$0xFFFFFFE0 ss:$0x1] =	vst.idx.msk $0xffff, v62;
	s13 =	sadd.s32 s16, s13;
	s15 =	sshrl.u32 s15, $0x3;
	s14 =	sshll.u32 s31, $0x12  }
0x58: {  	[tilespmem:v0+s18+$0xFFFFFFF0 ss:$0x1] =	vst.idx.msk $0xffff, v63;
	s13 =	sadd.s32 s15, s13;
	s14 =	sor.u32 $0x80, s14  }
0x59: {  	[hbm4b:s13+s14] =	stream.strided.scatter [tilespmem:s17], [sflag:$0x2], $0x4000, s7, s14, $0x38;
	[tilespmem:$0x10000] =	vst v63  }
.LBB1_6:
0x5a: {  	_ =	sfence.sel $0x180000  }
0x5b: {  	s2 =	simm.s32 $0x1;
	[bflag:$0x0] =	sbarrier.arrive $0xFFFF  }
0x5c: {  	s31 =	simm.s32 $0x2;
	[sflag:s2] =	ssyncpa.u1 $0x1  }
0x5d: {  	[sflag:s31] =	ssyncpa.u1 $0x1  }
0x5e: {  	p0 =	sne.s32 s1, $0x0;
	_ =	strace $0x90000047  }
0x5f: {  	s0 =	sadd.s32 @!p0 $0x100000, s0;
	[bflag:$0x2] =	sbarrier.arrive $0xFFFF  }
0x60: {  	[sflag:s0] =	ssyncadd.tile.s32 @!p0 $0x1;
	_ =	shalt  }
.Lfunc_end1:
_tile_overlayer_lowered:
.L_overlay_start_2:
0x61: {  	(tag) =	ssettag $0x2  }
0x62: {  	s0 =	rddreg [dreg:$0x0];
	s2 =	stileid.u32  }
0x63: {  	s1 =	rddreg [dreg:$0x1];
	p0 =	sne.s32 s2, $0x0  }
0x64: {  	s3 =	rddreg [dreg:$0x2];
	[bflag:$0x3] =	sbarrier.arrive $0xFFFF;
	s2 =	simm.s32 @!p0 $0x1C01  }
0x65: {  	[timem:s3], [sflag:s2] =	dma.local @!p0 [hbm:s0], s1  }
0x66: {  	s0 =	simm.s32 @!p0 $0x1  }
0x67: {  	_ =	swait.ge @!p0 [sflag:s0], s1  }
0x68: {  	s1 =	ssub.s32 @!p0 $0x0, s1;
	[sflag:s0] =	ssyncset.done @!p0 $0x0  }
0x69: {  	[sflag:s0] =	ssyncadd.s32 @!p0 s1  }
0x6a: {  	[bflag:$0x3] =	sbarrier.arrive $0xFFFF  }
0x6b: {  	_ =	shalt  }

// kernel: sparse-core-data-format-call.cloned.1.call-start
scs
called_computation_lowered:
.L_overlay_start_0:
0x0: {  	s2 =	sld [smem:$0x3FD9]  }
0x1: {  	s3 =	sld [smem:$0x3FFE];
	_ =	sdelay $0x1  }
0x2: {  	s1 =	srdreg.scid  }
0x3: {  	s0 =	sand.u32 $0x1, s1  }
0x4: {  	s15 =	sshll.u32 s0, $0xA;
	s2 =	sadd.s32 s3, s2  }
0x5: {  	s2 =	sadd.s32 s2, s15  }
0x6: {  	[smem:$0x3FBA] =	sst s2  }
0x7: {  	_ = 	snop  }
0x8: {  	s2 =	sld [smem:$0x3FD0];
	_ =	sdelay $0x2  }
0x9: {  	s16 =	simm.s32 $0xA;
	s4 =	simm.s32 $0x10  }
0xa: {  	[smem:s4], [sflag:s16] =	dma.local [hbm:s2], $0x1  }
0xb: {  	_ =	swait.eq [sflag:s16], $0x1  }
0xc: {  	[sflag:s16] =	ssyncset.done $0x0  }
0xd: {  	[sflag:s16] =	ssyncadd.s32 $0xFFFFFFFF  }
0xe: {  	s17 =	sld [smem:$0x10];
	(tm) =	ssettm $0x1  }
0xf: {  	s18 =	sld [smem:$0x3FFB];
	_ =	sdelay $0x3  }
0x10: {  	_ =	strace s18  }
0x11: {  	s3 =	sld [smem:$0x3FFC];
	_ =	sdelay $0x3  }
0x12: {  	_ =	strace s3  }
0x13: {  	s3 =	sld [smem:$0x3FFD];
	_ =	sdelay $0x3  }
0x14: {  	_ =	strace s3  }
0x15: {  	_ =	strace $0x8FFFFFFF  }
0x16: {  	s19 =	sld [smem:$0x3FDB];
	_ =	sdelay $0x1  }
0x17: {  	s20 =	simm.s32 $_scs_section_size  }
0x18: {  	s5 =	simm.s32 $_size__tile_overlayer_lowered;
	s6 =	simm.s32 $_tile_overlayer_lowered  }
0x19: {  	s23 =	simm.s32 $0x1BFF;
	s22 =	sshll.u32 s6, $0x1;
	s3 =	sadd.s32 s20, s19  }
0x1a: {  	s7 =	simm.s32 $0x0;
	s21 =	sshll.u32 s5, $0x1;
	s5 =	sadd.s32 s22, s3  }
0x1b: {  	[timem:s7], [sflag:s23] =	dma.local [hbm:s5], s21  }
0x1c: {  	_ =	swait.ge [sflag:s23], s21  }
0x1d: {  	s4 =	ssub.s32 $0x0, s21;
	[sflag:s23] =	ssyncset.done $0x0  }
0x1e: {  	[sflag:s23] =	ssyncadd.s32 s4;
	_ =	sdelay $0x1  }
0x1f: {  	s24 =	simm.s32 $0x1B8B  }
0x20: {  	_ =	swait.ge [sflag:s24], $0x1  }
0x21: {  	[sflag:s24] =	ssyncset.done $0x0  }
0x22: {  	s26 =	simm.s32 $0x1B8E;
	s25 =	sld [smem:$0x3FFE];
	[sflag:s24] =	ssyncadd.s32 $0xFFFFFFFF  }
0x23: {  	s27 =	simm.s32 $execute0_lowered;
	[smem:$0x3FD2] =	sst s26  }
0x24: {  	s5 =	sshll.u32 s27, $0x1;
	_ =	strace $0x80000049;
	[dreg:$0x1] =	wrdreg $0xFFFFFFFF  }
0x25: {  	s28 =	simm.s32 $_size_execute0_lowered;
	s3 =	sadd.s32 s3, s5;
	[dreg:$0x0] =	wrdreg $0x0  }
0x26: {  	s5 =	sshll.u32 s28, $0x1;
	[dreg:$0x2] =	wrdreg s3  }
0x27: {  	[dreg:$0x3] =	wrdreg s5  }
0x28: {  	[dreg:$0x4] =	wrdreg $0xC0  }
0x29: {  	_ =	task [dreg:s7], $0x5FFFF  }
0x2a: {  	[dreg:$0x1] =	wrdreg $0xFFFFFFFF  }
0x2b: {  	[dreg:$0x0] =	wrdreg $0x60  }
0x2c: {  	[dreg:$0x2] =	wrdreg s25  }
0x2d: {  	[dreg:$0x3] =	wrdreg s17  }
0x2e: {  	[dreg:$0x4] =	wrdreg $0x9  }
0x2f: {  	_ =	task.clear_ibuf [dreg:s7], $0x5FFFF;
	_ =	strace $0x90000049  }
0x30: {  	s29 =	simm.s32 $0x9;
	_ =	strace $0x8000004B  }
0x31: {  	_ =	swait.ge [sflag:s29], $0x1  }
0x32: {  	[sflag:s29] =	ssyncadd.s32 $0xFFFFFFFF  }
0x33: {  	_ =	strace $0x9000004B  }
0x34: {  	_ =	sfence  }
0x35: {  	s30 =	sld [smem:$0x0];
	_ =	sdelay $0x2  }
0x36: {  	s31 =	sshll.u32 s1, $0xD;
	s1 =	sshrl.u32 s1, $0x2  }
0x37: {  	s3 =	sand.u32 $0x4000, s31;
	s1 =	sadd.s32 s1, s30  }
0x38: {  	s0 =	sor.u32 s3, s0;
	s1 =	sshll.u32 s1, $0x11  }
0x39: {  	s0 =	sor.u32 s1, s0  }
0x3a: {  	s0 =	sadd.s32 $0x8F2B, s0  }
0x3b: {  	[sflag:s0] =	ssyncadd.remote.s32 $0x1  }
0x3c: {  	_ =	sfence.sel $0xFFFF  }
0x3d: {  	[dreg:$0x0] =	wrdreg $0xFFFFFFFF;
	(pc) =	sbr.abs _section_cstart, $3  }
0x3e: {  	[dreg:$0x1] =	wrdreg $0xFFFFFFFF  }
0x3f: {  	_ =	task.clear_ibuf [dreg:s7], $0x2FFFF;
	_ =	strace $0x9FFFFFFF  }
0x40: {  	(tm) =	ssettm $0x7FFFFFFF  }
0x41: {  	_ =	shalt  }
tec
execute0_lowered:
.L_overlay_start_1:
0x0: {  	(tag) =	ssettag $0x1  }
0x1: {  	s0 =	srdreg.scid  }
0x2: {  	s1 =	sshll.u32 s0, $0x4  }
0x3: {  	s0 =	stileid.u32;
	s1 =	sand.u32 $0x10, s1  }
0x4: {  	s7 =	rddreg [dreg:$0x0];
	s1 =	sor.u32 s0, s1  }
0x5: {  	s4 =	simm.s32 $0x1;
	s8 =	simm.s32 $0x2;
	s2 =	sshll.u32 s1, $0x1  }
0x6: {  	s14 =	simm.s32 $0x0;
	s9 =	simm.s32 $0xC00;
	s1 =	ssub.s32 $0x180, s2  }
0x7: {  	s13 =	simm.s32 $0x0;
	s10 =	simm.s32 $0x0;
	s3 =	sand.u32 $0x3E, s1  }
0x8: {  	s12 =	simm.s32 $0x0;
	s5 =	sshrl.u32 s1, $0x6;
	p0 =	sne.s32 s3, $0x0  }
.Ltmp0:
0x9: {  	s1 =	rddreg [dreg:$0x2];
	s4 =	simm.s32 @!p0 $0x0;
	(pc) =	sbr.rel .LBB1_1-.Ltmp0, $4  }
0xa: {  	s6 =	sadd.s32 $0x2000, s7;
	s3 =	rddreg [dreg:$0x1];
	s5 =	sadd.s32 s4, s5  }
0xb: {  	_ =	strace $0x8000004A;
	s4 =	simm.s32 $0x1;
	s5 =	smul.u32 $0x3, s5  }
0xc: {  	s7 =	sadd.s32 $0x3800, s7;
	s11 =	smov.u32 s2;
	[sflag:s4] =	ssyncpa.u1 $0x0  }
0xd: {  	p0 =	por $0x0, $0x0;
	[sflag:s8] =	ssyncpa.u1 $0x0;
	s8 =	sadd.s32 $0x1, s5  }
.LBB1_7:
0xe: {  	s15 =	sadd.s32 $0x80, s10  }
0xf: {  	s13 =	sadd.s32 $0x40, s11;
	s17 =	smov.u32 s11;
	p2 =	sgt.s32 s15, $0x17F  }
0x10: {  	s17 =	smov.u32 @p2 s13  }
0x11: {  	s15 =	simm.s32 @p2 $0x0;
	p2 =	sgt.s32 s17, $0x17F  }
0x12: {  	s17 =	smov.u32 @p2 s2;
	p2 =	sne.s32 s12, s8  }
.Ltmp1:
0x13: {  	p1 =	slt.u32 s12, $0x2;
	(pc) =	sbr.rel @!p2 .LBB1_8-.Ltmp1, $4  }
0x14: {  	s16 =	simm.s32 @!p1 $0x2  }
0x15: {  	s14 =	smov.u32 s10;
	p0 =	por !p0, !p0;
	_ =	swait.ge @!p1 [sflag:s16], $0x4000  }
0x16: {  	s13 =	smov.u32 s11;
	[sflag:s16] =	ssyncset.done @!p1 $0x0;
	s10 =	smov.u32 s15  }
0x17: {  	s12 =	sadd.s32 $0x1, s12;
	[sflag:s16] =	ssyncadd.s32 @!p1 $0xFFFFC000;
	s11 =	smov.u32 s17  }
.LBB1_1:
0x18: {  	p1 =	sge.u32 s12, s5  }
0x19: {  	s15 =	sand.u32 @!p1 $0x1FFFFFF, s10  }
0x1a: {  	s16 =	smulhi.u32 @!p1 $0xAAAAAB, s15;
	_ =	sdelay $0x1  }
0x1b: {  	s16 =	smul.u32 @!p1 $0x180, s16  }
0x1c: {  	s17 =	sxor.u32 @!p1 $0xFFFFFFFF, s12;
	s18 =	smul.u32 @!p1 $0x1800, s11  }
0x1d: {  	s17 =	sshll.u32 @!p1 s17, $0xE;
	s15 =	ssub.s32 @!p1 s15, s16  }
0x1e: {  	s16 =	sand.u32 @!p1 $0x4000, s17;
	s17 =	sadd.s32 @!p1 s6, s18;
	s15 =	sshll.u32 @!p1 s15, $0x4  }
0x1f: {  	s19 =	simm.s32 @!p1 $0x40;
	s20 =	simm.s32 @!p1 $0x80;
	s17 =	sadd.s32 @!p1 s15, s17  }
0x20: {  	[tilespmem:s16], [sflag:$0x1] =	stream.strided.gather @!p1 [hbm4b:s17+s19], $0x2000, s20, s19, $0x38;
	[tilespmem:$0x10100] =	vst v63  }
0x21: {  	s17 =	sadd.s32 @!p1 s18, s7  }
0x22: {  	s31 =	sadd.s32 $0xFFFFFFFF, s12;
	s16 =	sor.u32 @!p1 $0x2000, s16;
	s15 =	sadd.s32 @!p1 s15, s17  }
0x23: {  	[tilespmem:s16], [sflag:$0x1] =	stream.strided.gather @!p1 [hbm4b:s15+s19], $0x2000, s20, s19, $0x38;
	[tilespmem:$0x10100] =	vst v63  }
0x24: {  	p1 =	sge.u32 s31, s5  }
.Ltmp2:
0x25: {  	_ = 	snop;
	(pc) =	sbr.rel @p1 .LBB1_7-.Ltmp2, $1  }
0x26: {  	_ =	sdelay $0x3  }
0x27: {  	s15 =	simm.s32 $0x1;
	s17 =	sand.u32 $0x1, s12  }
0x28: {  	_ =	swait.ge [sflag:s4], $0x4000;
	s15 =	simm.s32 @!p0 $0x0;
	s17 =	smul.u32 $0x10200, s17  }
0x29: {  	p2 =	por $0x1, $0x1;
	[sflag:s4] =	ssyncset.done $0x0;
	s16 =	smul.u32 $0x10200, s15  }
0x2a: {  	s18 =	sshll.u32 s15, $0x10;
	[sflag:s4] =	ssyncadd.s32 $0xFFFFC000;
	s30 =	sshrl.u32 s17, $0x2  }
0x2b: {  	s31 =	sshrl.u32 s18, $0x2;
	s18 =	simm.s32 $0x0;
	s16 =	sshrl.u32 s16, $0x2  }
0x2c: {  	s15 =	sor.u32 $0x8000, s30;
	s17 =	sadd.s32 $0x20, s31;
	s16 =	sor.u32 $0x8000, s16  }
.LBB1_3:
0x2d: {  	s19 =	sshll.u32 s18, $0xD  }
0x2e: {  	s19 =	sand.u32 $0x3FFFE000, s19  }
0x2f: {  	s21 =	sadd.s32 s19, s17  }
0x30: {  	s31 =	smul.u32 $0x8100, s18;
	v3 =	vld [tilespmem:s21+$0x10]  }
0x31: {  	v1 =	vld [tilespmem:s21+$0xFFFFFFF0]  }
0x32: {  	s18 =	sshra.s32 s31, $0x2;
	v0 =	vld [tilespmem:s21+$0x0]  }
0x33: {  	s18 =	sadd.s32 s18, s16;
	v2 =	vld [tilespmem:s21+$0xFFFFFFE0]  }
0x34: {  	s19 =	sadd.s32 $0x0, s18  }
0x35: {  	p1 =	por p2, p2;
	s20 =	simm.s32 $0x4;
	s21 =	sadd.s32 $0x40, s21;
	[tilespmem:s19+$0x1830 ss:$0x81] =	vst.msk $0xffff, v3  }
.LBB1_4:
0x36: {  	v3 =	vld [tilespmem:s21+$0x10];
	p2 =	sne.s32 s20, $0x1FC;
	[tilespmem:s19+$0x810 ss:$0x81] =	vst.msk $0xffff, v1;
	s22 =	smov.u32 s20;
	s20 =	sadd.s32 $0x4, s20  }
.Ltmp3:
0x37: {  	v1 =	vld [tilespmem:s21+$0xFFFFFFF0];
	[tilespmem:s19+$0x1020 ss:$0x81] =	vst.msk $0xffff, v0;
	(pc) =	sbr.rel @p2 .LBB1_4-.Ltmp3, $4  }
0x38: {  	v0 =	vld [tilespmem:s21+$0x0];
	[tilespmem:s19+$0x0 ss:$0x81] =	vst.msk $0xffff, v2  }
0x39: {  	s19 =	sshra.s32 s22, $0x2;
	v2 =	vld [tilespmem:s21+$0xFFFFFFE0]  }
0x3a: {  	s19 =	sadd.s32 s19, s18  }
0x3b: {  	s21 =	sadd.s32 $0x40, s21;
	[tilespmem:s19+$0x1830 ss:$0x81] =	vst.msk $0xffff, v3  }
.Ltmp4:
0x3c: {  	(pc) =	sbr.rel @p1 .LBB1_3-.Ltmp4, $4  }
0x3d: {  	_ = 	snop  }
0x3e: {  	[tilespmem:s19+$0x810 ss:$0x81] =	vst.msk $0xffff, v1  }
0x3f: {  	[tilespmem:s19+$0x1020 ss:$0x81] =	vst.msk $0xffff, v0  }
0x40: {  	s18 =	simm.s32 $0x1;
	p2 =	por $0x0, $0x0;
	[tilespmem:s19+$0x0 ss:$0x81] =	vst.msk $0xffff, v2  }
0x41: {  	s16 =	sshll.u32 s14, $0x3  }
0x42: {  	s29 =	sand.u32 $0x7F, s14;
	s16 =	sand.u32 $0xFFFFFC00, s16  }
0x43: {  	s14 =	sor.u32 s29, s16;
	s16 =	smulhi.u32 $0xAAAAAAAB, s16  }
0x44: {  	s17 =	smulhi.u32 $0xAAAAAAAB, s14;
	_ =	sdelay $0x1  }
0x45: {  	s13 =	smul.u32 $0xC00, s13;
	s16 =	sshrl.u32 s16, $0x8;
	s17 =	sshrl.u32 s17, $0x8  }
0x46: {  	s16 =	sand.u32 $0x3F, s16;
	s17 =	smul.u32 $0x180, s17  }
0x47: {  	s16 =	smul.u32 $0x30, s16  }
.Ltmp5:
0x48: {  	s14 =	ssub.s32 s14, s17;
	(pc) =	sbr.rel .LBB1_7-.Ltmp5, $4  }
0x49: {  	s13 =	sadd.s32 s3, s13;
	s17 =	sand.u32 $0x7, s14  }
0x4a: {  	s13 =	sadd.s32 s16, s13;
	s14 =	sshrl.u32 s14, $0x3;
	s30 =	sshll.u32 s17, $0x12  }
0x4b: {  	s13 =	sadd.s32 s14, s13;
	s31 =	sor.u32 $0x400, s30  }
0x4c: {  	[hbm4b:s13+s31] =	stream.strided.scatter [tilespmem:s15], [sflag:$0x2], $0x4000, s9, s31, $0x20;
	[tilespmem:$0x10100] =	vst v63  }
.LBB1_8:
0x4d: {  	_ =	sfence.sel $0x180000  }
0x4e: {  	s2 =	simm.s32 $0x1;
	[bflag:$0x0] =	sbarrier.arrive $0xFFFF  }
0x4f: {  	s31 =	simm.s32 $0x2;
	[sflag:s2] =	ssyncpa.u1 $0x1  }
0x50: {  	[sflag:s31] =	ssyncpa.u1 $0x1  }
0x51: {  	p0 =	sne.s32 s0, $0x0;
	_ =	strace $0x9000004A  }
0x52: {  	s0 =	sadd.s32 @!p0 $0x100000, s1;
	[bflag:$0x2] =	sbarrier.arrive $0xFFFF  }
0x53: {  	[sflag:s0] =	ssyncadd.tile.s32 @!p0 $0x1;
	_ =	shalt  }
.Lfunc_end1:
_tile_overlayer_lowered:
.L_overlay_start_2:
0x54: {  	(tag) =	ssettag $0x2  }
0x55: {  	s0 =	rddreg [dreg:$0x0];
	s2 =	stileid.u32  }
0x56: {  	s1 =	rddreg [dreg:$0x1];
	p0 =	sne.s32 s2, $0x0  }
0x57: {  	s3 =	rddreg [dreg:$0x2];
	[bflag:$0x3] =	sbarrier.arrive $0xFFFF;
	s2 =	simm.s32 @!p0 $0x1C01  }
0x58: {  	[timem:s3], [sflag:s2] =	dma.local @!p0 [hbm:s0], s1  }
0x59: {  	s0 =	simm.s32 @!p0 $0x1  }
0x5a: {  	_ =	swait.ge @!p0 [sflag:s0], s1  }
0x5b: {  	s1 =	ssub.s32 @!p0 $0x0, s1;
	[sflag:s0] =	ssyncset.done @!p0 $0x0  }
0x5c: {  	[sflag:s0] =	ssyncadd.s32 @!p0 s1  }
0x5d: {  	[bflag:$0x3] =	sbarrier.arrive $0xFFFF  }
0x5e: {  	_ =	shalt  }

</sc_bundles>
